<compile_context>
chip_gen: v7x
topology: tpu7x:2x2x1
jax: 0.10.2.dev20260603
libtpu: 0.0.44.dev20260713+nightly
codegen_flags: <defaults>
</compile_context>

<pallas_src>
import functools

import jax
import jax.numpy as jnp
from jax import lax
from jax.experimental import pallas as pl
from jax.experimental.pallas import tpu as pltpu
from jax.experimental.pallas import tpu_sc as plsc

EMBED = 49152
BATCH_ROWS = 2048
NC, NS = 2, 16
NW = NC * NS
SPW = BATCH_ROWS // NW


def _scatter_sorted(idx, order, sched, table):
    mesh = plsc.VectorSubcoreMesh(core_axis_name="c", subcore_axis_name="s")

    @functools.partial(
        pl.kernel,
        mesh=mesh,
        out_type=jax.ShapeDtypeStruct((BATCH_ROWS, EMBED), jnp.float32),
        scratch_types=[
            pltpu.VMEM((BATCH_ROWS + 16,), jnp.int32),
            pltpu.VMEM((SPW + 16,), jnp.int32),
            pltpu.VMEM((SPW + 16,), jnp.int32),
            pltpu.VMEM((2, EMBED), jnp.float32),
            pltpu.SemaphoreType.DMA,
            pltpu.SemaphoreType.DMA,
            pltpu.SemaphoreType.DMA,
        ],
    )
    def k(idx_hbm, order_hbm, sched_hbm, table_hbm, out_hbm,
          idx_v, order_v, sched_v, buf, psem, wsem0, wsem1):
        wid = lax.axis_index("s") * NC + lax.axis_index("c")
        base = wid * SPW
        pltpu.sync_copy(idx_hbm, idx_v.at[pl.ds(0, BATCH_ROWS)])
        pltpu.sync_copy(order_hbm.at[pl.ds(base, SPW)],
                        order_v.at[pl.ds(0, SPW)])
        pltpu.sync_copy(sched_hbm.at[pl.ds(base, SPW)],
                        sched_v.at[pl.ds(0, SPW)])

        wsems = (wsem0, wsem1)

        def ext(ref, j):
            return ref[pl.ds(j, 16)][0]

        def wwait(sem):
            def w(i, c):
                pltpu.make_async_copy(buf.at[pl.ds(0, 1)],
                                      out_hbm.at[pl.ds(0, 1)], sem).wait()
                return c
            return w

        def slot(j, carry):
            p, n0, n1 = carry
            r = ext(order_v, j)
            sc = ext(sched_v, j)
            nr = sc >= -1

            pp = jnp.where(nr, 1 - p, p)

            @pl.when((j == 0) & nr)
            def _():
                v0 = ext(idx_v, r)
                pltpu.sync_copy(table_hbm.at[pl.ds(v0, 1)],
                                buf.at[pl.ds(0, 1)])

            @pl.when((j > 0) & nr)
            def _():
                pltpu.make_async_copy(table_hbm.at[pl.ds(0, 1)],
                                      buf.at[pl.ds(0, 1)], psem).wait()

            ns = [n0, n1]
            for b in range(2):
                @pl.when(pp == b)
                def _(b=b):
                    pltpu.make_async_copy(
                        buf.at[pl.ds(b, 1)],
                        out_hbm.at[pl.ds(r, 1)], wsems[b]).start()
                ns[b] = ns[b] + jnp.where(pp == b, 1, 0).astype(jnp.int32)

            for b in range(2):
                @pl.when((pp == 1 - b) & (ns[b] > 0))
                def _(b=b):
                    pltpu.make_async_copy(buf.at[pl.ds(0, 1)],
                                          out_hbm.at[pl.ds(0, 1)],
                                          wsems[b]).wait()
                ns[b] = ns[b] - jnp.where((pp == 1 - b) & (ns[b] > 0),
                                          1, 0).astype(jnp.int32)

            loc = lax.max(sc - base, jnp.int32(0))
            rn = ext(order_v, loc)
            pv = ext(idx_v, lax.min(lax.max(rn, jnp.int32(0)),
                                    jnp.int32(BATCH_ROWS - 1)))
            for b in range(2):
                @pl.when((sc >= 0) & (pp == 1 - b))
                def _(b=b):
                    lax.fori_loop(0, ns[b], wwait(wsems[b]), jnp.int32(0))
                    pltpu.make_async_copy(table_hbm.at[pl.ds(pv, 1)],
                                          buf.at[pl.ds(b, 1)], psem).start()
                ns[b] = jnp.where((sc >= 0) & (pp == 1 - b), 0,
                                  ns[b]).astype(jnp.int32)

            return (pp, ns[0], ns[1])

        _, n0, n1 = lax.fori_loop(
            0, SPW, slot,
            (jnp.int32(1), jnp.int32(0), jnp.int32(0)))
        lax.fori_loop(0, n0, wwait(wsem0), jnp.int32(0))
        lax.fori_loop(0, n1, wwait(wsem1), jnp.int32(0))

    return k(idx, order, sched, table)


def kernel(prefix, table):
    idx = prefix.reshape(-1).astype(jnp.int32)
    vals, order = lax.sort((idx, jnp.arange(BATCH_ROWS, dtype=jnp.int32)),
                           num_keys=1)

    jw = jnp.arange(BATCH_ROWS, dtype=jnp.int32)
    prev = jnp.concatenate([jnp.full((1,), -1, jnp.int32), vals[:-1]])
    nrun = (jw % SPW == 0) | (vals != prev)

    cand = jnp.where(nrun, jw, jnp.int32(BATCH_ROWS))
    sufmin = lax.cummin(cand[::-1])[::-1]
    nb = jnp.concatenate([sufmin[1:], jnp.full((1,), BATCH_ROWS, jnp.int32)])
    valid = (nb < BATCH_ROWS) & (nb // SPW == jw // SPW)
    sched = jnp.where(~nrun, jnp.int32(-2),
                      jnp.where(valid, nb, jnp.int32(-1)))

    out = _scatter_sorted(idx, order.astype(jnp.int32), sched, table)
    return out.reshape(prefix.shape[0], prefix.shape[1], EMBED)

# --- scband reference (transcript-rebuilt; emitter-appended) ---
"""Pipeline reference for scband-prefix-encoder-154618822846 (READ-ONLY COPY).

The authoritative reference and input builder live on the scoring server;
editing this copy changes nothing except your own understanding.
"""

import jax, jax.numpy as jnp
import numpy as np

PRE_SEQ_LEN = 128
HIDDEN = 1024
NUM_LAYERS = 24
EMBED_DIM = NUM_LAYERS * 2 * HIDDEN  # 49152
BATCH = 16


def setup_inputs(seed: int = 0) -> dict:
    key = jax.random.key(seed)
    k1, k2 = jax.random.split(key)
    prefix = jax.random.randint(k1, (BATCH, PRE_SEQ_LEN), 0, PRE_SEQ_LEN, dtype=jnp.int64 if jax.config.jax_enable_x64 else jnp.int32)
    table = jax.random.normal(k2, (PRE_SEQ_LEN, EMBED_DIM), dtype=jnp.float32) * 0.02
    return {"prefix": prefix, "table": table}


def reference(prefix, table):
    # prefix_projection=False branch: past_key_values = Embedding(pre_seq_len, 2*L*H)(prefix)
    past_key_values = jnp.take(table, prefix, axis=0)  # [B, pre_seq_len, 2*L*H]
    return past_key_values

if __name__ == "__main__":
    import jax
    _d = setup_inputs()
    print(jax.jit(kernel)(*tuple(_d.values())))

</pallas_src>

<mosaic_0001>
#map = affine_map<(d0, d1) -> (0)>
#map1 = affine_map<(d0, d1) -> (0, 0)>
module attributes {stable_mosaic.version = 14 : i64} {
  func.func @k(%arg0: i32, %arg1: i32, %arg2: memref<2048xi32, #tpu.memory_space<hbm>>, %arg3: memref<2048xi32, #tpu.memory_space<hbm>>, %arg4: memref<2048xi32, #tpu.memory_space<hbm>>, %arg5: memref<128x49152xf32, #tpu.memory_space<hbm>>, %arg6: memref<2048x49152xf32, #tpu.memory_space<hbm>>, %arg7: memref<2064xi32, #tpu.memory_space<vmem>>, %arg8: memref<80xi32, #tpu.memory_space<vmem>>, %arg9: memref<80xi32, #tpu.memory_space<vmem>>, %arg10: memref<2x49152xf32, #tpu.memory_space<vmem>>, %arg11: memref<!tpu.dma_semaphore, #tpu.memory_space<semaphore_mem>>, %arg12: memref<!tpu.dma_semaphore, #tpu.memory_space<semaphore_mem>>, %arg13: memref<!tpu.dma_semaphore, #tpu.memory_space<semaphore_mem>>) attributes {dimension_semantics = [#tpu.dimension_semantics<core_parallel>, #tpu.dimension_semantics<subcore_parallel>], iteration_bounds = array<i64: 2, 16>, scalar_prefetch = 0 : i64, scratch_operands = 7 : i64, tpu.core_type = #tpu.core_type<sc_vector_subcore>, window_params = [{transform_indices = #map}, {transform_indices = #map}, {transform_indices = #map}, {transform_indices = #map1}, {transform_indices = #map1}]} {
    %mul3A = arith.constant 2 : i32
    %mul3A_0 = arith.muli %arg1, %mul3A : i32
    %add3A = arith.addi %mul3A_0, %arg0 : i32
    %mul3A_1 = arith.constant 64 : i32
    %mul3A_2 = arith.muli %add3A, %mul3A_1 : i32
    "tpu.region"() ({
      %run_scoped3A = tpu.sem_alloc : memref<!tpu.dma_semaphore, #tpu.memory_space<semaphore_mem>>
      %dma_start3A = arith.constant 0 : i32
      %dma_start3A_30 = tpu.memref_slice %arg7[%dma_start3A] : memref<2064xi32, #tpu.memory_space<vmem>> -> memref<2048xi32, #tpu.memory_space<vmem>>
      %dma_start3A_31 = arith.constant 0 : i32
      %dma_start3A_32 = tpu.memref_slice %arg7[%dma_start3A_31] : memref<2064xi32, #tpu.memory_space<vmem>> -> memref<2048xi32, #tpu.memory_space<vmem>>
      tpu.enqueue_dma source(%arg2 : memref<2048xi32, #tpu.memory_space<hbm>>) target(%dma_start3A_32 : memref<2048xi32, #tpu.memory_space<vmem>>) target_semaphore(%run_scoped3A : memref<!tpu.dma_semaphore, #tpu.memory_space<semaphore_mem>>)
      %dma_wait3A = arith.constant 0 : i32
      %dma_wait3A_33 = tpu.memref_slice %arg7[%dma_wait3A] : memref<2064xi32, #tpu.memory_space<vmem>> -> memref<2048xi32, #tpu.memory_space<vmem>>
      %dma_wait3A_34 = arith.constant 0 : i32
      %dma_wait3A_35 = tpu.memref_slice %arg7[%dma_wait3A_34] : memref<2064xi32, #tpu.memory_space<vmem>> -> memref<2048xi32, #tpu.memory_space<vmem>>
      tpu.wait_dma2 semaphore(%run_scoped3A : memref<!tpu.dma_semaphore, #tpu.memory_space<semaphore_mem>>) src(%arg2 : memref<2048xi32, #tpu.memory_space<hbm>>) dst(%dma_wait3A_35 : memref<2048xi32, #tpu.memory_space<vmem>>)
      tpu.yield
    }) : () -> ()
    "tpu.region"() ({
      %run_scoped3A = tpu.sem_alloc : memref<!tpu.dma_semaphore, #tpu.memory_space<semaphore_mem>>
      %dma_start3A = arith.constant 0 : i32
      %dma_start3A_30 = tpu.memref_slice %arg8[%dma_start3A] : memref<80xi32, #tpu.memory_space<vmem>> -> memref<64xi32, #tpu.memory_space<vmem>>
      %dma_start3A_31 = tpu.memref_slice %arg3[%mul3A_2] : memref<2048xi32, #tpu.memory_space<hbm>> -> memref<64xi32, #tpu.memory_space<hbm>>
      %dma_start3A_32 = arith.constant 0 : i32
      %dma_start3A_33 = tpu.memref_slice %arg8[%dma_start3A_32] : memref<80xi32, #tpu.memory_space<vmem>> -> memref<64xi32, #tpu.memory_space<vmem>>
      %dma_start3A_34 = tpu.memref_slice %arg3[%mul3A_2] : memref<2048xi32, #tpu.memory_space<hbm>> -> memref<64xi32, #tpu.memory_space<hbm>>
      tpu.enqueue_dma source(%dma_start3A_34 : memref<64xi32, #tpu.memory_space<hbm>>) target(%dma_start3A_33 : memref<64xi32, #tpu.memory_space<vmem>>) target_semaphore(%run_scoped3A : memref<!tpu.dma_semaphore, #tpu.memory_space<semaphore_mem>>)
      %dma_wait3A = arith.constant 0 : i32
      %dma_wait3A_35 = tpu.memref_slice %arg8[%dma_wait3A] : memref<80xi32, #tpu.memory_space<vmem>> -> memref<64xi32, #tpu.memory_space<vmem>>
      %dma_wait3A_36 = tpu.memref_slice %arg3[%mul3A_2] : memref<2048xi32, #tpu.memory_space<hbm>> -> memref<64xi32, #tpu.memory_space<hbm>>
      %dma_wait3A_37 = arith.constant 0 : i32
      %dma_wait3A_38 = tpu.memref_slice %arg8[%dma_wait3A_37] : memref<80xi32, #tpu.memory_space<vmem>> -> memref<64xi32, #tpu.memory_space<vmem>>
      %dma_wait3A_39 = tpu.memref_slice %arg3[%mul3A_2] : memref<2048xi32, #tpu.memory_space<hbm>> -> memref<64xi32, #tpu.memory_space<hbm>>
      tpu.wait_dma2 semaphore(%run_scoped3A : memref<!tpu.dma_semaphore, #tpu.memory_space<semaphore_mem>>) src(%dma_wait3A_39 : memref<64xi32, #tpu.memory_space<hbm>>) dst(%dma_wait3A_38 : memref<64xi32, #tpu.memory_space<vmem>>)
      tpu.yield
    }) : () -> ()
    "tpu.region"() ({
      %run_scoped3A = tpu.sem_alloc : memref<!tpu.dma_semaphore, #tpu.memory_space<semaphore_mem>>
      %dma_start3A = arith.constant 0 : i32
      %dma_start3A_30 = tpu.memref_slice %arg9[%dma_start3A] : memref<80xi32, #tpu.memory_space<vmem>> -> memref<64xi32, #tpu.memory_space<vmem>>
      %dma_start3A_31 = tpu.memref_slice %arg4[%mul3A_2] : memref<2048xi32, #tpu.memory_space<hbm>> -> memref<64xi32, #tpu.memory_space<hbm>>
      %dma_start3A_32 = arith.constant 0 : i32
      %dma_start3A_33 = tpu.memref_slice %arg9[%dma_start3A_32] : memref<80xi32, #tpu.memory_space<vmem>> -> memref<64xi32, #tpu.memory_space<vmem>>
      %dma_start3A_34 = tpu.memref_slice %arg4[%mul3A_2] : memref<2048xi32, #tpu.memory_space<hbm>> -> memref<64xi32, #tpu.memory_space<hbm>>
      tpu.enqueue_dma source(%dma_start3A_34 : memref<64xi32, #tpu.memory_space<hbm>>) target(%dma_start3A_33 : memref<64xi32, #tpu.memory_space<vmem>>) target_semaphore(%run_scoped3A : memref<!tpu.dma_semaphore, #tpu.memory_space<semaphore_mem>>)
      %dma_wait3A = arith.constant 0 : i32
      %dma_wait3A_35 = tpu.memref_slice %arg9[%dma_wait3A] : memref<80xi32, #tpu.memory_space<vmem>> -> memref<64xi32, #tpu.memory_space<vmem>>
      %dma_wait3A_36 = tpu.memref_slice %arg4[%mul3A_2] : memref<2048xi32, #tpu.memory_space<hbm>> -> memref<64xi32, #tpu.memory_space<hbm>>
      %dma_wait3A_37 = arith.constant 0 : i32
      %dma_wait3A_38 = tpu.memref_slice %arg9[%dma_wait3A_37] : memref<80xi32, #tpu.memory_space<vmem>> -> memref<64xi32, #tpu.memory_space<vmem>>
      %dma_wait3A_39 = tpu.memref_slice %arg4[%mul3A_2] : memref<2048xi32, #tpu.memory_space<hbm>> -> memref<64xi32, #tpu.memory_space<hbm>>
      tpu.wait_dma2 semaphore(%run_scoped3A : memref<!tpu.dma_semaphore, #tpu.memory_space<semaphore_mem>>) src(%dma_wait3A_39 : memref<64xi32, #tpu.memory_space<hbm>>) dst(%dma_wait3A_38 : memref<64xi32, #tpu.memory_space<vmem>>)
      tpu.yield
    }) : () -> ()
    %scan3A = arith.constant 1 : i32
    %scan3A_3 = arith.constant 0 : i32
    %scan3A_4 = arith.constant 0 : i32
    %scan3A_5 = arith.constant 0 : i32
    %scan3A_6 = arith.constant 64 : i32
    %scan3A_7 = arith.addi %scan3A_5, %scan3A_6 : i32
    %scan3A_8 = arith.constant 1 : i32
    %scan3A_9:3 = scf.for %scan3A_30 = %scan3A_5 to %scan3A_7 step %scan3A_8 iter_args(%scan3A_31 = %scan3A, %scan3A_32 = %scan3A_3, %scan3A_33 = %scan3A_4) -> (i32, i32, i32)  : i32 {
      %get3A = arith.index_cast %scan3A_30 : i32 to index
      %get3A_34 = tpu.vector_load %arg8[%get3A] {strides = array<i32>} : memref<80xi32, #tpu.memory_space<vmem>>, vector<16xi32>,
      %get3A_35 = vector.shape_cast %get3A_34 : vector<16xi32> to vector<16xi32>
      %slice3A = vector.extract_strided_slice %get3A_35 {offsets = [0], sizes = [1], strides = [1]} : vector<16xi32> to vector<1xi32>
      %squeeze3A = vector.extract %slice3A[0] : i32 from vector<1xi32>
      %get3A_36 = arith.index_cast %scan3A_30 : i32 to index
      %get3A_37 = tpu.vector_load %arg9[%get3A_36] {strides = array<i32>} : memref<80xi32, #tpu.memory_space<vmem>>, vector<16xi32>,
      %get3A_38 = vector.shape_cast %get3A_37 : vector<16xi32> to vector<16xi32>
      %slice3A_39 = vector.extract_strided_slice %get3A_38 {offsets = [0], sizes = [1], strides = [1]} : vector<16xi32> to vector<1xi32>
      %squeeze3A_40 = vector.extract %slice3A_39[0] : i32 from vector<1xi32>
      %ge3A = arith.constant -1 : i32
      %ge3A_41 = arith.cmpi sge, %squeeze3A_40, %ge3A : i32
      %sub3A = arith.constant 1 : i32
      %sub3A_42 = arith.subi %sub3A, %scan3A_31 : i32
      %select_n3A = arith.select %ge3A_41, %sub3A_42, %scan3A_31 : i32
      %eq3A = arith.constant 0 : i32
      %eq3A_43 = arith.cmpi eq, %scan3A_30, %eq3A : i32
      %and3A = arith.andi %eq3A_43, %ge3A_41 : i1
      %convert_element_type3A = arith.extui %and3A : i1 to i32
      %cond3A = arith.constant 0 : i32
      %cond3A_44 = arith.cmpi ne, %convert_element_type3A, %cond3A : i32
      scf.if %cond3A_44 {
        %get3A_150 = arith.index_cast %squeeze3A : i32 to index
        %get3A_151 = tpu.vector_load %arg7[%get3A_150] {strides = array<i32>} : memref<2064xi32, #tpu.memory_space<vmem>>, vector<16xi32>,
        %get3A_152 = vector.shape_cast %get3A_151 : vector<16xi32> to vector<16xi32>
        %slice3A_153 = vector.extract_strided_slice %get3A_152 {offsets = [0], sizes = [1], strides = [1]} : vector<16xi32> to vector<1xi32>
        %squeeze3A_154 = vector.extract %slice3A_153[0] : i32 from vector<1xi32>
        "tpu.region"() ({
          %run_scoped3A = tpu.sem_alloc : memref<!tpu.dma_semaphore, #tpu.memory_space<semaphore_mem>>
          %dma_start3A = arith.constant 0 : i32
          %dma_start3A_155 = arith.constant 0 : i32
          %dma_start3A_156 = tpu.memref_slice %arg10[%dma_start3A, %dma_start3A_155] : memref<2x49152xf32, #tpu.memory_space<vmem>> -> memref<1x49152xf32, #tpu.memory_space<vmem>>
          %dma_start3A_157 = arith.constant 0 : i32
          %dma_start3A_158 = tpu.memref_slice %arg5[%squeeze3A_154, %dma_start3A_157] : memref<128x49152xf32, #tpu.memory_space<hbm>> -> memref<1x49152xf32, #tpu.memory_space<hbm>>
          %dma_start3A_159 = arith.constant 0 : i32
          %dma_start3A_160 = arith.constant 0 : i32
          %dma_start3A_161 = tpu.memref_slice %arg10[%dma_start3A_159, %dma_start3A_160] : memref<2x49152xf32, #tpu.memory_space<vmem>> -> memref<1x49152xf32, #tpu.memory_space<vmem>>
          %dma_start3A_162 = arith.constant 0 : i32
          %dma_start3A_163 = tpu.memref_slice %arg5[%squeeze3A_154, %dma_start3A_162] : memref<128x49152xf32, #tpu.memory_space<hbm>> -> memref<1x49152xf32, #tpu.memory_space<hbm>>
          tpu.enqueue_dma source(%dma_start3A_163 : memref<1x49152xf32, #tpu.memory_space<hbm>>) target(%dma_start3A_161 : memref<1x49152xf32, #tpu.memory_space<vmem>>) target_semaphore(%run_scoped3A : memref<!tpu.dma_semaphore, #tpu.memory_space<semaphore_mem>>)
          %dma_wait3A = arith.constant 0 : i32
          %dma_wait3A_164 = arith.constant 0 : i32
          %dma_wait3A_165 = tpu.memref_slice %arg10[%dma_wait3A, %dma_wait3A_164] : memref<2x49152xf32, #tpu.memory_space<vmem>> -> memref<1x49152xf32, #tpu.memory_space<vmem>>
          %dma_wait3A_166 = arith.constant 0 : i32
          %dma_wait3A_167 = tpu.memref_slice %arg5[%squeeze3A_154, %dma_wait3A_166] : memref<128x49152xf32, #tpu.memory_space<hbm>> -> memref<1x49152xf32, #tpu.memory_space<hbm>>
          %dma_wait3A_168 = arith.constant 0 : i32
          %dma_wait3A_169 = arith.constant 0 : i32
          %dma_wait3A_170 = tpu.memref_slice %arg10[%dma_wait3A_168, %dma_wait3A_169] : memref<2x49152xf32, #tpu.memory_space<vmem>> -> memref<1x49152xf32, #tpu.memory_space<vmem>>
          %dma_wait3A_171 = arith.constant 0 : i32
          %dma_wait3A_172 = tpu.memref_slice %arg5[%squeeze3A_154, %dma_wait3A_171] : memref<128x49152xf32, #tpu.memory_space<hbm>> -> memref<1x49152xf32, #tpu.memory_space<hbm>>
          tpu.wait_dma2 semaphore(%run_scoped3A : memref<!tpu.dma_semaphore, #tpu.memory_space<semaphore_mem>>) src(%dma_wait3A_172 : memref<1x49152xf32, #tpu.memory_space<hbm>>) dst(%dma_wait3A_170 : memref<1x49152xf32, #tpu.memory_space<vmem>>)
          tpu.yield
        }) : () -> ()
      } else {
      }
      %gt3A = arith.constant 0 : i32
      %gt3A_45 = arith.cmpi sgt, %scan3A_30, %gt3A : i32
      %and3A_46 = arith.andi %gt3A_45, %ge3A_41 : i1
      %convert_element_type3A_47 = arith.extui %and3A_46 : i1 to i32
      %cond3A_48 = arith.constant 0 : i32
      %cond3A_49 = arith.cmpi ne, %convert_element_type3A_47, %cond3A_48 : i32
      scf.if %cond3A_49 {
        %dma_wait3A = arith.constant 0 : i32
        %dma_wait3A_150 = arith.constant 0 : i32
        %dma_wait3A_151 = tpu.memref_slice %arg10[%dma_wait3A, %dma_wait3A_150] : memref<2x49152xf32, #tpu.memory_space<vmem>> -> memref<1x49152xf32, #tpu.memory_space<vmem>>
        %dma_wait3A_152 = arith.constant 0 : i32
        %dma_wait3A_153 = arith.constant 0 : i32
        %dma_wait3A_154 = tpu.memref_slice %arg5[%dma_wait3A_152, %dma_wait3A_153] : memref<128x49152xf32, #tpu.memory_space<hbm>> -> memref<1x49152xf32, #tpu.memory_space<hbm>>
        %dma_wait3A_155 = arith.constant 0 : i32
        %dma_wait3A_156 = arith.constant 0 : i32
        %dma_wait3A_157 = tpu.memref_slice %arg10[%dma_wait3A_155, %dma_wait3A_156] : memref<2x49152xf32, #tpu.memory_space<vmem>> -> memref<1x49152xf32, #tpu.memory_space<vmem>>
        %dma_wait3A_158 = arith.constant 0 : i32
        %dma_wait3A_159 = arith.constant 0 : i32
        %dma_wait3A_160 = tpu.memref_slice %arg5[%dma_wait3A_158, %dma_wait3A_159] : memref<128x49152xf32, #tpu.memory_space<hbm>> -> memref<1x49152xf32, #tpu.memory_space<hbm>>
        tpu.wait_dma2 semaphore(%arg11 : memref<!tpu.dma_semaphore, #tpu.memory_space<semaphore_mem>>) src(%dma_wait3A_160 : memref<1x49152xf32, #tpu.memory_space<hbm>>) dst(%dma_wait3A_157 : memref<1x49152xf32, #tpu.memory_space<vmem>>)
      } else {
      }
      %eq3A_50 = arith.constant 0 : i32
      %eq3A_51 = arith.cmpi eq, %select_n3A, %eq3A_50 : i32
      %convert_element_type3A_52 = arith.extui %eq3A_51 : i1 to i32
      %cond3A_53 = arith.constant 0 : i32
      %cond3A_54 = arith.cmpi ne, %convert_element_type3A_52, %cond3A_53 : i32
      scf.if %cond3A_54 {
        %dma_start3A = arith.constant 0 : i32
        %dma_start3A_150 = arith.constant 0 : i32
        %dma_start3A_151 = tpu.memref_slice %arg10[%dma_start3A, %dma_start3A_150] : memref<2x49152xf32, #tpu.memory_space<vmem>> -> memref<1x49152xf32, #tpu.memory_space<vmem>>
        %dma_start3A_152 = arith.constant 0 : i32
        %dma_start3A_153 = tpu.memref_slice %arg6[%squeeze3A, %dma_start3A_152] : memref<2048x49152xf32, #tpu.memory_space<hbm>> -> memref<1x49152xf32, #tpu.memory_space<hbm>>
        %dma_start3A_154 = arith.constant 0 : i32
        %dma_start3A_155 = tpu.memref_slice %arg6[%squeeze3A, %dma_start3A_154] : memref<2048x49152xf32, #tpu.memory_space<hbm>> -> memref<1x49152xf32, #tpu.memory_space<hbm>>
        %dma_start3A_156 = arith.constant 0 : i32
        %dma_start3A_157 = arith.constant 0 : i32
        %dma_start3A_158 = tpu.memref_slice %arg10[%dma_start3A_156, %dma_start3A_157] : memref<2x49152xf32, #tpu.memory_space<vmem>> -> memref<1x49152xf32, #tpu.memory_space<vmem>>
        tpu.enqueue_dma source(%dma_start3A_158 : memref<1x49152xf32, #tpu.memory_space<vmem>>) target(%dma_start3A_155 : memref<1x49152xf32, #tpu.memory_space<hbm>>) target_semaphore(%arg12 : memref<!tpu.dma_semaphore, #tpu.memory_space<semaphore_mem>>)
      } else {
      }
      %eq3A_55 = arith.constant 0 : i32
      %eq3A_56 = arith.cmpi eq, %select_n3A, %eq3A_55 : i32
      %jit3A = arith.constant 1 : i32
      %jit3A_57 = arith.constant 0 : i32
      %select_n3A_58 = arith.select %eq3A_56, %jit3A, %jit3A_57 : i32
      %add3A_59 = arith.addi %scan3A_32, %select_n3A_58 : i32
      %eq3A_60 = arith.constant 1 : i32
      %eq3A_61 = arith.cmpi eq, %select_n3A, %eq3A_60 : i32
      %convert_element_type3A_62 = arith.extui %eq3A_61 : i1 to i32
      %cond3A_63 = arith.constant 0 : i32
      %cond3A_64 = arith.cmpi ne, %convert_element_type3A_62, %cond3A_63 : i32
      scf.if %cond3A_64 {
        %dma_start3A = arith.constant 1 : i32
        %dma_start3A_150 = arith.constant 0 : i32
        %dma_start3A_151 = tpu.memref_slice %arg10[%dma_start3A, %dma_start3A_150] : memref<2x49152xf32, #tpu.memory_space<vmem>> -> memref<1x49152xf32, #tpu.memory_space<vmem>>
        %dma_start3A_152 = arith.constant 0 : i32
        %dma_start3A_153 = tpu.memref_slice %arg6[%squeeze3A, %dma_start3A_152] : memref<2048x49152xf32, #tpu.memory_space<hbm>> -> memref<1x49152xf32, #tpu.memory_space<hbm>>
        %dma_start3A_154 = arith.constant 0 : i32
        %dma_start3A_155 = tpu.memref_slice %arg6[%squeeze3A, %dma_start3A_154] : memref<2048x49152xf32, #tpu.memory_space<hbm>> -> memref<1x49152xf32, #tpu.memory_space<hbm>>
        %dma_start3A_156 = arith.constant 1 : i32
        %dma_start3A_157 = arith.constant 0 : i32
        %dma_start3A_158 = tpu.memref_slice %arg10[%dma_start3A_156, %dma_start3A_157] : memref<2x49152xf32, #tpu.memory_space<vmem>> -> memref<1x49152xf32, #tpu.memory_space<vmem>>
        tpu.enqueue_dma source(%dma_start3A_158 : memref<1x49152xf32, #tpu.memory_space<vmem>>) target(%dma_start3A_155 : memref<1x49152xf32, #tpu.memory_space<hbm>>) target_semaphore(%arg13 : memref<!tpu.dma_semaphore, #tpu.memory_space<semaphore_mem>>)
      } else {
      }
      %eq3A_65 = arith.constant 1 : i32
      %eq3A_66 = arith.cmpi eq, %select_n3A, %eq3A_65 : i32
      %jit3A_67 = arith.constant 1 : i32
      %jit3A_68 = arith.constant 0 : i32
      %select_n3A_69 = arith.select %eq3A_66, %jit3A_67, %jit3A_68 : i32
      %add3A_70 = arith.addi %scan3A_33, %select_n3A_69 : i32
      %eq3A_71 = arith.constant 1 : i32
      %eq3A_72 = arith.cmpi eq, %select_n3A, %eq3A_71 : i32
      %gt3A_73 = arith.constant 0 : i32
      %gt3A_74 = arith.cmpi sgt, %add3A_59, %gt3A_73 : i32
      %and3A_75 = arith.andi %eq3A_72, %gt3A_74 : i1
      %convert_element_type3A_76 = arith.extui %and3A_75 : i1 to i32
      %cond3A_77 = arith.constant 0 : i32
      %cond3A_78 = arith.cmpi ne, %convert_element_type3A_76, %cond3A_77 : i32
      scf.if %cond3A_78 {
        %dma_wait3A = arith.constant 0 : i32
        %dma_wait3A_150 = arith.constant 0 : i32
        %dma_wait3A_151 = tpu.memref_slice %arg10[%dma_wait3A, %dma_wait3A_150] : memref<2x49152xf32, #tpu.memory_space<vmem>> -> memref<1x49152xf32, #tpu.memory_space<vmem>>
        %dma_wait3A_152 = arith.constant 0 : i32
        %dma_wait3A_153 = arith.constant 0 : i32
        %dma_wait3A_154 = tpu.memref_slice %arg6[%dma_wait3A_152, %dma_wait3A_153] : memref<2048x49152xf32, #tpu.memory_space<hbm>> -> memref<1x49152xf32, #tpu.memory_space<hbm>>
        %dma_wait3A_155 = arith.constant 0 : i32
        %dma_wait3A_156 = arith.constant 0 : i32
        %dma_wait3A_157 = tpu.memref_slice %arg6[%dma_wait3A_155, %dma_wait3A_156] : memref<2048x49152xf32, #tpu.memory_space<hbm>> -> memref<1x49152xf32, #tpu.memory_space<hbm>>
        %dma_wait3A_158 = arith.constant 0 : i32
        %dma_wait3A_159 = arith.constant 0 : i32
        %dma_wait3A_160 = tpu.memref_slice %arg10[%dma_wait3A_158, %dma_wait3A_159] : memref<2x49152xf32, #tpu.memory_space<vmem>> -> memref<1x49152xf32, #tpu.memory_space<vmem>>
        tpu.wait_dma2 semaphore(%arg12 : memref<!tpu.dma_semaphore, #tpu.memory_space<semaphore_mem>>) src(%dma_wait3A_160 : memref<1x49152xf32, #tpu.memory_space<vmem>>) dst(%dma_wait3A_157 : memref<1x49152xf32, #tpu.memory_space<hbm>>)
      } else {
      }
      %eq3A_79 = arith.constant 1 : i32
      %eq3A_80 = arith.cmpi eq, %select_n3A, %eq3A_79 : i32
      %gt3A_81 = arith.constant 0 : i32
      %gt3A_82 = arith.cmpi sgt, %add3A_59, %gt3A_81 : i32
      %and3A_83 = arith.andi %eq3A_80, %gt3A_82 : i1
      %jit3A_84 = arith.constant 1 : i32
      %jit3A_85 = arith.constant 0 : i32
      %select_n3A_86 = arith.select %and3A_83, %jit3A_84, %jit3A_85 : i32
      %sub3A_87 = arith.subi %add3A_59, %select_n3A_86 : i32
      %eq3A_88 = arith.constant 0 : i32
      %eq3A_89 = arith.cmpi eq, %select_n3A, %eq3A_88 : i32
      %gt3A_90 = arith.constant 0 : i32
      %gt3A_91 = arith.cmpi sgt, %add3A_70, %gt3A_90 : i32
      %and3A_92 = arith.andi %eq3A_89, %gt3A_91 : i1
      %convert_element_type3A_93 = arith.extui %and3A_92 : i1 to i32
      %cond3A_94 = arith.constant 0 : i32
      %cond3A_95 = arith.cmpi ne, %convert_element_type3A_93, %cond3A_94 : i32
      scf.if %cond3A_95 {
        %dma_wait3A = arith.constant 0 : i32
        %dma_wait3A_150 = arith.constant 0 : i32
        %dma_wait3A_151 = tpu.memref_slice %arg10[%dma_wait3A, %dma_wait3A_150] : memref<2x49152xf32, #tpu.memory_space<vmem>> -> memref<1x49152xf32, #tpu.memory_space<vmem>>
        %dma_wait3A_152 = arith.constant 0 : i32
        %dma_wait3A_153 = arith.constant 0 : i32
        %dma_wait3A_154 = tpu.memref_slice %arg6[%dma_wait3A_152, %dma_wait3A_153] : memref<2048x49152xf32, #tpu.memory_space<hbm>> -> memref<1x49152xf32, #tpu.memory_space<hbm>>
        %dma_wait3A_155 = arith.constant 0 : i32
        %dma_wait3A_156 = arith.constant 0 : i32
        %dma_wait3A_157 = tpu.memref_slice %arg6[%dma_wait3A_155, %dma_wait3A_156] : memref<2048x49152xf32, #tpu.memory_space<hbm>> -> memref<1x49152xf32, #tpu.memory_space<hbm>>
        %dma_wait3A_158 = arith.constant 0 : i32
        %dma_wait3A_159 = arith.constant 0 : i32
        %dma_wait3A_160 = tpu.memref_slice %arg10[%dma_wait3A_158, %dma_wait3A_159] : memref<2x49152xf32, #tpu.memory_space<vmem>> -> memref<1x49152xf32, #tpu.memory_space<vmem>>
        tpu.wait_dma2 semaphore(%arg13 : memref<!tpu.dma_semaphore, #tpu.memory_space<semaphore_mem>>) src(%dma_wait3A_160 : memref<1x49152xf32, #tpu.memory_space<vmem>>) dst(%dma_wait3A_157 : memref<1x49152xf32, #tpu.memory_space<hbm>>)
      } else {
      }
      %eq3A_96 = arith.constant 0 : i32
      %eq3A_97 = arith.cmpi eq, %select_n3A, %eq3A_96 : i32
      %gt3A_98 = arith.constant 0 : i32
      %gt3A_99 = arith.cmpi sgt, %add3A_70, %gt3A_98 : i32
      %and3A_100 = arith.andi %eq3A_97, %gt3A_99 : i1
      %jit3A_101 = arith.constant 1 : i32
      %jit3A_102 = arith.constant 0 : i32
      %select_n3A_103 = arith.select %and3A_100, %jit3A_101, %jit3A_102 : i32
      %sub3A_104 = arith.subi %add3A_70, %select_n3A_103 : i32
      %sub3A_105 = arith.subi %squeeze3A_40, %mul3A_2 : i32
      %max3A = arith.constant 0 : i32
      %max3A_106 = arith.maxsi %sub3A_105, %max3A : i32
      %get3A_107 = arith.index_cast %max3A_106 : i32 to index
      %get3A_108 = tpu.vector_load %arg8[%get3A_107] {strides = array<i32>} : memref<80xi32, #tpu.memory_space<vmem>>, vector<16xi32>,
      %get3A_109 = vector.shape_cast %get3A_108 : vector<16xi32> to vector<16xi32>
      %slice3A_110 = vector.extract_strided_slice %get3A_109 {offsets = [0], sizes = [1], strides = [1]} : vector<16xi32> to vector<1xi32>
      %squeeze3A_111 = vector.extract %slice3A_110[0] : i32 from vector<1xi32>
      %max3A_112 = arith.constant 0 : i32
      %max3A_113 = arith.maxsi %squeeze3A_111, %max3A_112 : i32
      %min3A = arith.constant 2047 : i32
      %min3A_114 = arith.minsi %max3A_113, %min3A : i32
      %get3A_115 = arith.index_cast %min3A_114 : i32 to index
      %get3A_116 = tpu.vector_load %arg7[%get3A_115] {strides = array<i32>} : memref<2064xi32, #tpu.memory_space<vmem>>, vector<16xi32>,
      %get3A_117 = vector.shape_cast %get3A_116 : vector<16xi32> to vector<16xi32>
      %slice3A_118 = vector.extract_strided_slice %get3A_117 {offsets = [0], sizes = [1], strides = [1]} : vector<16xi32> to vector<1xi32>
      %squeeze3A_119 = vector.extract %slice3A_118[0] : i32 from vector<1xi32>
      %ge3A_120 = arith.constant 0 : i32
      %ge3A_121 = arith.cmpi sge, %squeeze3A_40, %ge3A_120 : i32
      %eq3A_122 = arith.constant 1 : i32
      %eq3A_123 = arith.cmpi eq, %select_n3A, %eq3A_122 : i32
      %and3A_124 = arith.andi %ge3A_121, %eq3A_123 : i1
      %convert_element_type3A_125 = arith.extui %and3A_124 : i1 to i32
      %cond3A_126 = arith.constant 0 : i32
      %cond3A_127 = arith.cmpi ne, %convert_element_type3A_125, %cond3A_126 : i32
      scf.if %cond3A_127 {
        %while3A_150 = arith.constant 0 : i32
        %while3A_151 = arith.constant 0 : i32
        %while3A_152 = arith.subi %sub3A_87, %while3A_151 : i32
        %while3A_153 = arith.addi %while3A_151, %while3A_152 : i32
        %while3A_154 = arith.constant 1 : i32
        %while3A_155 = arith.divsi %while3A_152, %while3A_154 : i32
        %while3A_156 = arith.muli %while3A_155, %while3A_154 : i32
        %while3A_157 = arith.addi %while3A_151, %while3A_156 : i32
        %while3A_158 = arith.constant 1 : i32
        scf.for %while3A_169 = %while3A_151 to %while3A_157 step %while3A_158  : i32 {
          %dma_wait3A = arith.constant 0 : i32
          %dma_wait3A_170 = arith.constant 0 : i32
          %dma_wait3A_171 = tpu.memref_slice %arg10[%dma_wait3A, %dma_wait3A_170] : memref<2x49152xf32, #tpu.memory_space<vmem>> -> memref<1x49152xf32, #tpu.memory_space<vmem>>
          %dma_wait3A_172 = arith.constant 0 : i32
          %dma_wait3A_173 = arith.constant 0 : i32
          %dma_wait3A_174 = tpu.memref_slice %arg6[%dma_wait3A_172, %dma_wait3A_173] : memref<2048x49152xf32, #tpu.memory_space<hbm>> -> memref<1x49152xf32, #tpu.memory_space<hbm>>
          %dma_wait3A_175 = arith.constant 0 : i32
          %dma_wait3A_176 = arith.constant 0 : i32
          %dma_wait3A_177 = tpu.memref_slice %arg6[%dma_wait3A_175, %dma_wait3A_176] : memref<2048x49152xf32, #tpu.memory_space<hbm>> -> memref<1x49152xf32, #tpu.memory_space<hbm>>
          %dma_wait3A_178 = arith.constant 0 : i32
          %dma_wait3A_179 = arith.constant 0 : i32
          %dma_wait3A_180 = tpu.memref_slice %arg10[%dma_wait3A_178, %dma_wait3A_179] : memref<2x49152xf32, #tpu.memory_space<vmem>> -> memref<1x49152xf32, #tpu.memory_space<vmem>>
          tpu.wait_dma2 semaphore(%arg12 : memref<!tpu.dma_semaphore, #tpu.memory_space<semaphore_mem>>) src(%dma_wait3A_180 : memref<1x49152xf32, #tpu.memory_space<vmem>>) dst(%dma_wait3A_177 : memref<1x49152xf32, #tpu.memory_space<hbm>>)
        }
        %while3A_159 = arith.constant 1 : i32
        scf.for %while3A_169 = %while3A_157 to %while3A_153 step %while3A_159  : i32 {
          %dma_wait3A = arith.constant 0 : i32
          %dma_wait3A_170 = arith.constant 0 : i32
          %dma_wait3A_171 = tpu.memref_slice %arg10[%dma_wait3A, %dma_wait3A_170] : memref<2x49152xf32, #tpu.memory_space<vmem>> -> memref<1x49152xf32, #tpu.memory_space<vmem>>
          %dma_wait3A_172 = arith.constant 0 : i32
          %dma_wait3A_173 = arith.constant 0 : i32
          %dma_wait3A_174 = tpu.memref_slice %arg6[%dma_wait3A_172, %dma_wait3A_173] : memref<2048x49152xf32, #tpu.memory_space<hbm>> -> memref<1x49152xf32, #tpu.memory_space<hbm>>
          %dma_wait3A_175 = arith.constant 0 : i32
          %dma_wait3A_176 = arith.constant 0 : i32
          %dma_wait3A_177 = tpu.memref_slice %arg6[%dma_wait3A_175, %dma_wait3A_176] : memref<2048x49152xf32, #tpu.memory_space<hbm>> -> memref<1x49152xf32, #tpu.memory_space<hbm>>
          %dma_wait3A_178 = arith.constant 0 : i32
          %dma_wait3A_179 = arith.constant 0 : i32
          %dma_wait3A_180 = tpu.memref_slice %arg10[%dma_wait3A_178, %dma_wait3A_179] : memref<2x49152xf32, #tpu.memory_space<vmem>> -> memref<1x49152xf32, #tpu.memory_space<vmem>>
          tpu.wait_dma2 semaphore(%arg12 : memref<!tpu.dma_semaphore, #tpu.memory_space<semaphore_mem>>) src(%dma_wait3A_180 : memref<1x49152xf32, #tpu.memory_space<vmem>>) dst(%dma_wait3A_177 : memref<1x49152xf32, #tpu.memory_space<hbm>>)
        }
        %dma_start3A = arith.constant 0 : i32
        %dma_start3A_160 = arith.constant 0 : i32
        %dma_start3A_161 = tpu.memref_slice %arg10[%dma_start3A, %dma_start3A_160] : memref<2x49152xf32, #tpu.memory_space<vmem>> -> memref<1x49152xf32, #tpu.memory_space<vmem>>
        %dma_start3A_162 = arith.constant 0 : i32
        %dma_start3A_163 = tpu.memref_slice %arg5[%squeeze3A_119, %dma_start3A_162] : memref<128x49152xf32, #tpu.memory_space<hbm>> -> memref<1x49152xf32, #tpu.memory_space<hbm>>
        %dma_start3A_164 = arith.constant 0 : i32
        %dma_start3A_165 = arith.constant 0 : i32
        %dma_start3A_166 = tpu.memref_slice %arg10[%dma_start3A_164, %dma_start3A_165] : memref<2x49152xf32, #tpu.memory_space<vmem>> -> memref<1x49152xf32, #tpu.memory_space<vmem>>
        %dma_start3A_167 = arith.constant 0 : i32
        %dma_start3A_168 = tpu.memref_slice %arg5[%squeeze3A_119, %dma_start3A_167] : memref<128x49152xf32, #tpu.memory_space<hbm>> -> memref<1x49152xf32, #tpu.memory_space<hbm>>
        tpu.enqueue_dma source(%dma_start3A_168 : memref<1x49152xf32, #tpu.memory_space<hbm>>) target(%dma_start3A_166 : memref<1x49152xf32, #tpu.memory_space<vmem>>) target_semaphore(%arg11 : memref<!tpu.dma_semaphore, #tpu.memory_space<semaphore_mem>>)
      } else {
      }
      %ge3A_128 = arith.constant 0 : i32
      %ge3A_129 = arith.cmpi sge, %squeeze3A_40, %ge3A_128 : i32
      %eq3A_130 = arith.constant 1 : i32
      %eq3A_131 = arith.cmpi eq, %select_n3A, %eq3A_130 : i32
      %and3A_132 = arith.andi %ge3A_129, %eq3A_131 : i1
      %jit3A_133 = arith.constant 0 : i32
      %select_n3A_134 = arith.select %and3A_132, %jit3A_133, %sub3A_87 : i32
      %ge3A_135 = arith.constant 0 : i32
      %ge3A_136 = arith.cmpi sge, %squeeze3A_40, %ge3A_135 : i32
      %eq3A_137 = arith.constant 0 : i32
      %eq3A_138 = arith.cmpi eq, %select_n3A, %eq3A_137 : i32
      %and3A_139 = arith.andi %ge3A_136, %eq3A_138 : i1
      %convert_element_type3A_140 = arith.extui %and3A_139 : i1 to i32
      %cond3A_141 = arith.constant 0 : i32
      %cond3A_142 = arith.cmpi ne, %convert_element_type3A_140, %cond3A_141 : i32
      scf.if %cond3A_142 {
        %while3A_150 = arith.constant 0 : i32
        %while3A_151 = arith.constant 0 : i32
        %while3A_152 = arith.subi %sub3A_104, %while3A_151 : i32
        %while3A_153 = arith.addi %while3A_151, %while3A_152 : i32
        %while3A_154 = arith.constant 1 : i32
        %while3A_155 = arith.divsi %while3A_152, %while3A_154 : i32
        %while3A_156 = arith.muli %while3A_155, %while3A_154 : i32
        %while3A_157 = arith.addi %while3A_151, %while3A_156 : i32
        %while3A_158 = arith.constant 1 : i32
        scf.for %while3A_169 = %while3A_151 to %while3A_157 step %while3A_158  : i32 {
          %dma_wait3A = arith.constant 0 : i32
          %dma_wait3A_170 = arith.constant 0 : i32
          %dma_wait3A_171 = tpu.memref_slice %arg10[%dma_wait3A, %dma_wait3A_170] : memref<2x49152xf32, #tpu.memory_space<vmem>> -> memref<1x49152xf32, #tpu.memory_space<vmem>>
          %dma_wait3A_172 = arith.constant 0 : i32
          %dma_wait3A_173 = arith.constant 0 : i32
          %dma_wait3A_174 = tpu.memref_slice %arg6[%dma_wait3A_172, %dma_wait3A_173] : memref<2048x49152xf32, #tpu.memory_space<hbm>> -> memref<1x49152xf32, #tpu.memory_space<hbm>>
          %dma_wait3A_175 = arith.constant 0 : i32
          %dma_wait3A_176 = arith.constant 0 : i32
          %dma_wait3A_177 = tpu.memref_slice %arg6[%dma_wait3A_175, %dma_wait3A_176] : memref<2048x49152xf32, #tpu.memory_space<hbm>> -> memref<1x49152xf32, #tpu.memory_space<hbm>>
          %dma_wait3A_178 = arith.constant 0 : i32
          %dma_wait3A_179 = arith.constant 0 : i32
          %dma_wait3A_180 = tpu.memref_slice %arg10[%dma_wait3A_178, %dma_wait3A_179] : memref<2x49152xf32, #tpu.memory_space<vmem>> -> memref<1x49152xf32, #tpu.memory_space<vmem>>
          tpu.wait_dma2 semaphore(%arg13 : memref<!tpu.dma_semaphore, #tpu.memory_space<semaphore_mem>>) src(%dma_wait3A_180 : memref<1x49152xf32, #tpu.memory_space<vmem>>) dst(%dma_wait3A_177 : memref<1x49152xf32, #tpu.memory_space<hbm>>)
        }
        %while3A_159 = arith.constant 1 : i32
        scf.for %while3A_169 = %while3A_157 to %while3A_153 step %while3A_159  : i32 {
          %dma_wait3A = arith.constant 0 : i32
          %dma_wait3A_170 = arith.constant 0 : i32
          %dma_wait3A_171 = tpu.memref_slice %arg10[%dma_wait3A, %dma_wait3A_170] : memref<2x49152xf32, #tpu.memory_space<vmem>> -> memref<1x49152xf32, #tpu.memory_space<vmem>>
          %dma_wait3A_172 = arith.constant 0 : i32
          %dma_wait3A_173 = arith.constant 0 : i32
          %dma_wait3A_174 = tpu.memref_slice %arg6[%dma_wait3A_172, %dma_wait3A_173] : memref<2048x49152xf32, #tpu.memory_space<hbm>> -> memref<1x49152xf32, #tpu.memory_space<hbm>>
          %dma_wait3A_175 = arith.constant 0 : i32
          %dma_wait3A_176 = arith.constant 0 : i32
          %dma_wait3A_177 = tpu.memref_slice %arg6[%dma_wait3A_175, %dma_wait3A_176] : memref<2048x49152xf32, #tpu.memory_space<hbm>> -> memref<1x49152xf32, #tpu.memory_space<hbm>>
          %dma_wait3A_178 = arith.constant 0 : i32
          %dma_wait3A_179 = arith.constant 0 : i32
          %dma_wait3A_180 = tpu.memref_slice %arg10[%dma_wait3A_178, %dma_wait3A_179] : memref<2x49152xf32, #tpu.memory_space<vmem>> -> memref<1x49152xf32, #tpu.memory_space<vmem>>
          tpu.wait_dma2 semaphore(%arg13 : memref<!tpu.dma_semaphore, #tpu.memory_space<semaphore_mem>>) src(%dma_wait3A_180 : memref<1x49152xf32, #tpu.memory_space<vmem>>) dst(%dma_wait3A_177 : memref<1x49152xf32, #tpu.memory_space<hbm>>)
        }
        %dma_start3A = arith.constant 1 : i32
        %dma_start3A_160 = arith.constant 0 : i32
        %dma_start3A_161 = tpu.memref_slice %arg10[%dma_start3A, %dma_start3A_160] : memref<2x49152xf32, #tpu.memory_space<vmem>> -> memref<1x49152xf32, #tpu.memory_space<vmem>>
        %dma_start3A_162 = arith.constant 0 : i32
        %dma_start3A_163 = tpu.memref_slice %arg5[%squeeze3A_119, %dma_start3A_162] : memref<128x49152xf32, #tpu.memory_space<hbm>> -> memref<1x49152xf32, #tpu.memory_space<hbm>>
        %dma_start3A_164 = arith.constant 1 : i32
        %dma_start3A_165 = arith.constant 0 : i32
        %dma_start3A_166 = tpu.memref_slice %arg10[%dma_start3A_164, %dma_start3A_165] : memref<2x49152xf32, #tpu.memory_space<vmem>> -> memref<1x49152xf32, #tpu.memory_space<vmem>>
        %dma_start3A_167 = arith.constant 0 : i32
        %dma_start3A_168 = tpu.memref_slice %arg5[%squeeze3A_119, %dma_start3A_167] : memref<128x49152xf32, #tpu.memory_space<hbm>> -> memref<1x49152xf32, #tpu.memory_space<hbm>>
        tpu.enqueue_dma source(%dma_start3A_168 : memref<1x49152xf32, #tpu.memory_space<hbm>>) target(%dma_start3A_166 : memref<1x49152xf32, #tpu.memory_space<vmem>>) target_semaphore(%arg11 : memref<!tpu.dma_semaphore, #tpu.memory_space<semaphore_mem>>)
      } else {
      }
      %ge3A_143 = arith.constant 0 : i32
      %ge3A_144 = arith.cmpi sge, %squeeze3A_40, %ge3A_143 : i32
      %eq3A_145 = arith.constant 0 : i32
      %eq3A_146 = arith.cmpi eq, %select_n3A, %eq3A_145 : i32
      %and3A_147 = arith.andi %ge3A_144, %eq3A_146 : i1
      %jit3A_148 = arith.constant 0 : i32
      %select_n3A_149 = arith.select %and3A_147, %jit3A_148, %sub3A_104 : i32
      scf.yield %select_n3A, %select_n3A_134, %select_n3A_149 : i32, i32, i32
    }
    %scan3A_10 = arith.constant 64 : i32
    %while3A = arith.constant 0 : i32
    %while3A_11 = arith.constant 0 : i32
    %while3A_12 = arith.subi %scan3A_9#1, %while3A_11 : i32
    %while3A_13 = arith.addi %while3A_11, %while3A_12 : i32
    %while3A_14 = arith.constant 1 : i32
    %while3A_15 = arith.divsi %while3A_12, %while3A_14 : i32
    %while3A_16 = arith.muli %while3A_15, %while3A_14 : i32
    %while3A_17 = arith.addi %while3A_11, %while3A_16 : i32
    %while3A_18 = arith.constant 1 : i32
    scf.for %while3A_30 = %while3A_11 to %while3A_17 step %while3A_18  : i32 {
      %dma_wait3A = arith.constant 0 : i32
      %dma_wait3A_31 = arith.constant 0 : i32
      %dma_wait3A_32 = tpu.memref_slice %arg10[%dma_wait3A, %dma_wait3A_31] : memref<2x49152xf32, #tpu.memory_space<vmem>> -> memref<1x49152xf32, #tpu.memory_space<vmem>>
      %dma_wait3A_33 = arith.constant 0 : i32
      %dma_wait3A_34 = arith.constant 0 : i32
      %dma_wait3A_35 = tpu.memref_slice %arg6[%dma_wait3A_33, %dma_wait3A_34] : memref<2048x49152xf32, #tpu.memory_space<hbm>> -> memref<1x49152xf32, #tpu.memory_space<hbm>>
      %dma_wait3A_36 = arith.constant 0 : i32
      %dma_wait3A_37 = arith.constant 0 : i32
      %dma_wait3A_38 = tpu.memref_slice %arg6[%dma_wait3A_36, %dma_wait3A_37] : memref<2048x49152xf32, #tpu.memory_space<hbm>> -> memref<1x49152xf32, #tpu.memory_space<hbm>>
      %dma_wait3A_39 = arith.constant 0 : i32
      %dma_wait3A_40 = arith.constant 0 : i32
      %dma_wait3A_41 = tpu.memref_slice %arg10[%dma_wait3A_39, %dma_wait3A_40] : memref<2x49152xf32, #tpu.memory_space<vmem>> -> memref<1x49152xf32, #tpu.memory_space<vmem>>
      tpu.wait_dma2 semaphore(%arg12 : memref<!tpu.dma_semaphore, #tpu.memory_space<semaphore_mem>>) src(%dma_wait3A_41 : memref<1x49152xf32, #tpu.memory_space<vmem>>) dst(%dma_wait3A_38 : memref<1x49152xf32, #tpu.memory_space<hbm>>)
    }
    %while3A_19 = arith.constant 1 : i32
    scf.for %while3A_30 = %while3A_17 to %while3A_13 step %while3A_19  : i32 {
      %dma_wait3A = arith.constant 0 : i32
      %dma_wait3A_31 = arith.constant 0 : i32
      %dma_wait3A_32 = tpu.memref_slice %arg10[%dma_wait3A, %dma_wait3A_31] : memref<2x49152xf32, #tpu.memory_space<vmem>> -> memref<1x49152xf32, #tpu.memory_space<vmem>>
      %dma_wait3A_33 = arith.constant 0 : i32
      %dma_wait3A_34 = arith.constant 0 : i32
      %dma_wait3A_35 = tpu.memref_slice %arg6[%dma_wait3A_33, %dma_wait3A_34] : memref<2048x49152xf32, #tpu.memory_space<hbm>> -> memref<1x49152xf32, #tpu.memory_space<hbm>>
      %dma_wait3A_36 = arith.constant 0 : i32
      %dma_wait3A_37 = arith.constant 0 : i32
      %dma_wait3A_38 = tpu.memref_slice %arg6[%dma_wait3A_36, %dma_wait3A_37] : memref<2048x49152xf32, #tpu.memory_space<hbm>> -> memref<1x49152xf32, #tpu.memory_space<hbm>>
      %dma_wait3A_39 = arith.constant 0 : i32
      %dma_wait3A_40 = arith.constant 0 : i32
      %dma_wait3A_41 = tpu.memref_slice %arg10[%dma_wait3A_39, %dma_wait3A_40] : memref<2x49152xf32, #tpu.memory_space<vmem>> -> memref<1x49152xf32, #tpu.memory_space<vmem>>
      tpu.wait_dma2 semaphore(%arg12 : memref<!tpu.dma_semaphore, #tpu.memory_space<semaphore_mem>>) src(%dma_wait3A_41 : memref<1x49152xf32, #tpu.memory_space<vmem>>) dst(%dma_wait3A_38 : memref<1x49152xf32, #tpu.memory_space<hbm>>)
    }
    %while3A_20 = arith.constant 0 : i32
    %while3A_21 = arith.constant 0 : i32
    %while3A_22 = arith.subi %scan3A_9#2, %while3A_21 : i32
    %while3A_23 = arith.addi %while3A_21, %while3A_22 : i32
    %while3A_24 = arith.constant 1 : i32
    %while3A_25 = arith.divsi %while3A_22, %while3A_24 : i32
    %while3A_26 = arith.muli %while3A_25, %while3A_24 : i32
    %while3A_27 = arith.addi %while3A_21, %while3A_26 : i32
    %while3A_28 = arith.constant 1 : i32
    scf.for %while3A_30 = %while3A_21 to %while3A_27 step %while3A_28  : i32 {
      %dma_wait3A = arith.constant 0 : i32
      %dma_wait3A_31 = arith.constant 0 : i32
      %dma_wait3A_32 = tpu.memref_slice %arg10[%dma_wait3A, %dma_wait3A_31] : memref<2x49152xf32, #tpu.memory_space<vmem>> -> memref<1x49152xf32, #tpu.memory_space<vmem>>
      %dma_wait3A_33 = arith.constant 0 : i32
      %dma_wait3A_34 = arith.constant 0 : i32
      %dma_wait3A_35 = tpu.memref_slice %arg6[%dma_wait3A_33, %dma_wait3A_34] : memref<2048x49152xf32, #tpu.memory_space<hbm>> -> memref<1x49152xf32, #tpu.memory_space<hbm>>
      %dma_wait3A_36 = arith.constant 0 : i32
      %dma_wait3A_37 = arith.constant 0 : i32
      %dma_wait3A_38 = tpu.memref_slice %arg6[%dma_wait3A_36, %dma_wait3A_37] : memref<2048x49152xf32, #tpu.memory_space<hbm>> -> memref<1x49152xf32, #tpu.memory_space<hbm>>
      %dma_wait3A_39 = arith.constant 0 : i32
      %dma_wait3A_40 = arith.constant 0 : i32
      %dma_wait3A_41 = tpu.memref_slice %arg10[%dma_wait3A_39, %dma_wait3A_40] : memref<2x49152xf32, #tpu.memory_space<vmem>> -> memref<1x49152xf32, #tpu.memory_space<vmem>>
      tpu.wait_dma2 semaphore(%arg13 : memref<!tpu.dma_semaphore, #tpu.memory_space<semaphore_mem>>) src(%dma_wait3A_41 : memref<1x49152xf32, #tpu.memory_space<vmem>>) dst(%dma_wait3A_38 : memref<1x49152xf32, #tpu.memory_space<hbm>>)
    }
    %while3A_29 = arith.constant 1 : i32
    scf.for %while3A_30 = %while3A_27 to %while3A_23 step %while3A_29  : i32 {
      %dma_wait3A = arith.constant 0 : i32
      %dma_wait3A_31 = arith.constant 0 : i32
      %dma_wait3A_32 = tpu.memref_slice %arg10[%dma_wait3A, %dma_wait3A_31] : memref<2x49152xf32, #tpu.memory_space<vmem>> -> memref<1x49152xf32, #tpu.memory_space<vmem>>
      %dma_wait3A_33 = arith.constant 0 : i32
      %dma_wait3A_34 = arith.constant 0 : i32
      %dma_wait3A_35 = tpu.memref_slice %arg6[%dma_wait3A_33, %dma_wait3A_34] : memref<2048x49152xf32, #tpu.memory_space<hbm>> -> memref<1x49152xf32, #tpu.memory_space<hbm>>
      %dma_wait3A_36 = arith.constant 0 : i32
      %dma_wait3A_37 = arith.constant 0 : i32
      %dma_wait3A_38 = tpu.memref_slice %arg6[%dma_wait3A_36, %dma_wait3A_37] : memref<2048x49152xf32, #tpu.memory_space<hbm>> -> memref<1x49152xf32, #tpu.memory_space<hbm>>
      %dma_wait3A_39 = arith.constant 0 : i32
      %dma_wait3A_40 = arith.constant 0 : i32
      %dma_wait3A_41 = tpu.memref_slice %arg10[%dma_wait3A_39, %dma_wait3A_40] : memref<2x49152xf32, #tpu.memory_space<vmem>> -> memref<1x49152xf32, #tpu.memory_space<vmem>>
      tpu.wait_dma2 semaphore(%arg13 : memref<!tpu.dma_semaphore, #tpu.memory_space<semaphore_mem>>) src(%dma_wait3A_41 : memref<1x49152xf32, #tpu.memory_space<vmem>>) dst(%dma_wait3A_38 : memref<1x49152xf32, #tpu.memory_space<hbm>>)
    }
    return
  }
}

</mosaic_0001>

<sc_bundles>
// kernel: kernel.3.cloned.1.call-start
scs
__scs_entry_jumppad:
0x0: {  	(pc) =	sbr.rel $0x88, $3  }
0x1: {  	(tag) =	ssettag $0x0;
	lr =	simm.s32 $0x1  }
0x2: {  	[smem:$0x3F9F] =	sst lr;
	_ =	strace $0xD0000000  }
0x3: {  	_ = 	snop  }
0x4: {  	_ = 	snop  }
0x5: {  	_ = 	snop  }
0x6: {  	_ = 	snop  }
0x7: {  	_ = 	snop  }
__scs_overlays_trampoline_lowered:
0x8: {  	[smem:$0x3FAE] =	sst s0  }
0x9: {  	[smem:$0x3FAF] =	sst s1  }
0xa: {  	[smem:$0x3FB0] =	sst s2  }
0xb: {  	[smem:$0x3FB1] =	sst s3  }
0xc: {  	[smem:$0x3FB2] =	sst s4  }
0xd: {  	[smem:$0x3FB3] =	sst s5  }
0xe: {  	[smem:$0x3FB4] =	sst s6  }
0xf: {  	[smem:$0x3FB5] =	sst s7  }
0x10: {  	[smem:$0x3FB6] =	sst s8  }
0x11: {  	[smem:$0x3FB7] =	sst s9;
	s0 =	simm.s32 @!p0 $0x0  }
0x12: {  	s1 =	sld [smem:$0x3F9D];
	s0 =	simm.s32 @p0 $0x1  }
0x13: {  	[smem:$0x3FB8] =	sst s0;
	s0 =	simm.s32 @!p1 $0x0  }
0x14: {  	s2 =	sld [smem:$0x3F9C];
	s0 =	simm.s32 @p1 $0x1  }
0x15: {  	[smem:$0x3FB9] =	sst s0;
	s0 =	simm.s32 @!p2 $0x0  }
0x16: {  	s3 =	sld [smem:$0x3FDB];
	s0 =	simm.s32 @p2 $0x1  }
0x17: {  	s4 =	simm.s32 $0x1BF5;
	[smem:$0x3FBB] =	sst s0  }
0x18: {  	s0 =	sld [smem:$0x3F9E];
	_ =	swait.ge [sflag:s4], $0x0  }
0x19: {  	s7 =	sld [smem:$0x3F9F]  }
0x1a: {  	s8 =	sadd.s32 $0xFFFFE003, lr  }
0x1b: {  	s9 =	sadd.s32 $0xFFFFFEF7, lr;
	s5 =	simm.s32 $0xFFFFFFFF;
	p2 =	slt.u32 s8, $0xFFFFF086  }
0x1c: {  	p1 =	slt.u32 s9, $0xF7A;
	s5 =	simm.s32 @!p2 $0x0  }
0x1d: {  	s5 =	simm.s32 @p1 $0x1;
	p0 =	seq.s32 s7, s2  }
0x1e: {  	s7 =	smul.u32 @!p0 $0xF7A, s2;
	p2 =	seq.s32 @!p0 s5, $0x0  }
0x1f: {  	s9 =	smul.u32 $0xF7A, s1;
	s8 =	simm.s32 @!p0 $0x1BF5;
	p2 =	por !p2, p0  }
0x20: {  	[sflag:s8] =	ssyncset.s32 @!p0 $0xFFFFF086;
	s6 =	sadd.s32 @!p0 s3, s7;
	s7 =	simm.s32 @!p0 $0x108  }
0x21: {  	s3 =	sadd.s32 s3, s9;
	s6 =	sadd.s32 @!p0 $0x88, s6;
	s7 =	simm.s32 @p2 $0x1082  }
0x22: {  	[simem:s7], [sflag:s8] =	dma.local @!p0 [hbm:s6], $0xF7A  }
0x23: {  	s9 =	sor.u32 $0xD0000000, s2;
	s6 =	simm.s32 $0x108;
	_ =	swait.ge @!p0 [sflag:s8], $0x0  }
0x24: {  	s3 =	sadd.s32 $0x88, s3;
	s6 =	simm.s32 @!p1 $0x1082;
	[sflag:s4] =	ssyncset.s32 $0xFFFFF086  }
0x25: {  	[simem:s6], [sflag:s4] =	dma.local [hbm:s3], $0xF7A  }
0x26: {  	[smem:$0x3F9F] =	sst s1;
	(tag) =	ssettag s2;
	_ =	strace s9  }
0x27: {  	s1 =	sld [smem:$0x3FAF]  }
0x28: {  	s2 =	sld [smem:$0x3FB0]  }
0x29: {  	s4 =	sld [smem:$0x3FB2]  }
0x2a: {  	p0 =	seq.s32 s5, $0x0;
	s5 =	sld [smem:$0x3FB3]  }
0x2b: {  	s6 =	sld [smem:$0x3FB4]  }
0x2c: {  	s7 =	sld [smem:$0x3FB5]  }
0x2d: {  	s3 =	simm.s32 $0x108;
	s8 =	sld [smem:$0x3FB6]  }
0x2e: {  	s3 =	simm.s32 @!p0 $0x1082;
	s9 =	sld [smem:$0x3FB7]  }
0x2f: {  	lr =	sadd.s32 s0, s3;
	s0 =	sld [smem:$0x3FAE]  }
0x30: {  	s3 =	sld [smem:$0x3FB1]  }
0x31: {  	[smem:$0x3FBA] =	sst s10  }
0x32: {  	s10 =	sld [smem:$0x3FB8];
	_ =	sdelay $0x3  }
0x33: {  	p0 =	seq.s32 s10, $0x1;
	s10 =	sld [smem:$0x3FBA];
	_ =	sdelay $0x3  }
0x34: {  	[smem:$0x3FBA] =	sst s10  }
0x35: {  	s10 =	sld [smem:$0x3FB9];
	_ =	sdelay $0x3  }
0x36: {  	p1 =	seq.s32 s10, $0x1;
	s10 =	sld [smem:$0x3FBA];
	_ =	sdelay $0x3  }
0x37: {  	[smem:$0x3FBA] =	sst s10  }
0x38: {  	s10 =	sld [smem:$0x3FBB]  }
0x39: {  	_ = 	snop;
	(pc) =	sbr.ind lr, $3  }
0x3a: {  	_ = 	snop  }
0x3b: {  	_ = 	snop  }
0x3c: {  	p2 =	seq.s32 s10, $0x1;
	s10 =	sld [smem:$0x3FBA]  }
0x3d: {  	_ =	shalt  }
0x3e: {  	_ =	shalt  }
0x3f: {  	_ =	shalt  }
0x40: {  	_ =	shalt  }
0x41: {  	_ =	shalt  }
0x42: {  	_ =	shalt  }
0x43: {  	_ =	shalt  }
0x44: {  	_ =	shalt  }
0x45: {  	_ =	shalt  }
0x46: {  	_ =	shalt  }
0x47: {  	_ =	shalt  }
0x48: {  	_ =	shalt  }
0x49: {  	_ =	shalt  }
0x4a: {  	_ =	shalt  }
0x4b: {  	_ =	shalt  }
0x4c: {  	_ =	shalt  }
0x4d: {  	_ =	shalt  }
0x4e: {  	_ =	shalt  }
0x4f: {  	_ =	shalt  }
0x50: {  	_ =	shalt  }
0x51: {  	_ =	shalt  }
0x52: {  	_ =	shalt  }
0x53: {  	_ =	shalt  }
0x54: {  	_ =	shalt  }
0x55: {  	_ =	shalt  }
0x56: {  	_ =	shalt  }
0x57: {  	_ =	shalt  }
0x58: {  	_ =	shalt  }
0x59: {  	_ =	shalt  }
0x5a: {  	_ =	shalt  }
0x5b: {  	_ =	shalt  }
0x5c: {  	_ =	shalt  }
0x5d: {  	_ =	shalt  }
0x5e: {  	_ =	shalt  }
0x5f: {  	_ =	shalt  }
0x60: {  	_ =	shalt  }
0x61: {  	_ =	shalt  }
0x62: {  	_ =	shalt  }
0x63: {  	_ =	shalt  }
0x64: {  	_ =	shalt  }
0x65: {  	_ =	shalt  }
0x66: {  	_ =	shalt  }
0x67: {  	_ =	shalt  }
0x68: {  	_ =	shalt  }
0x69: {  	_ =	shalt  }
0x6a: {  	_ =	shalt  }
0x6b: {  	_ =	shalt  }
0x6c: {  	_ =	shalt  }
0x6d: {  	_ =	shalt  }
0x6e: {  	_ =	shalt  }
0x6f: {  	_ =	shalt  }
0x70: {  	_ =	shalt  }
0x71: {  	_ =	shalt  }
0x72: {  	_ =	shalt  }
0x73: {  	_ =	shalt  }
0x74: {  	_ =	shalt  }
0x75: {  	_ =	shalt  }
0x76: {  	_ =	shalt  }
0x77: {  	_ =	shalt  }
0x78: {  	_ =	shalt  }
0x79: {  	_ =	shalt  }
0x7a: {  	_ =	shalt  }
0x7b: {  	_ =	shalt  }
0x7c: {  	_ =	shalt  }
0x7d: {  	_ =	shalt  }
0x7e: {  	_ =	shalt  }
0x7f: {  	_ =	shalt  }
0x80: {  	_ =	shalt  }
0x81: {  	_ =	shalt  }
0x82: {  	_ =	shalt  }
0x83: {  	_ =	shalt  }
0x84: {  	_ =	shalt  }
0x85: {  	_ =	shalt  }
0x86: {  	_ =	shalt  }
0x87: {  	_ =	shalt  }
.Lfunc_end0:
.L_simem_size_0:
called_computation_lowered:
.L_overlay_start_0:
0x88: {  	s2 =	sld [smem:$0x3FD9]  }
0x89: {  	s3 =	sld [smem:$0x3FFE];
	_ =	sdelay $0x1  }
0x8a: {  	s1 =	srdreg.scid  }
0x8b: {  	s0 =	sand.u32 $0x1, s1  }
0x8c: {  	s17 =	sshll.u32 s0, $0xA;
	s2 =	sadd.s32 s3, s2  }
0x8d: {  	s2 =	sadd.s32 s2, s17  }
0x8e: {  	[smem:$0x3FC6] =	sst s2  }
0x8f: {  	_ = 	snop  }
0x90: {  	s2 =	sld [smem:$0x3FC9]  }
0x91: {  	s18 =	sld [smem:$0x3FC8]  }
0x92: {  	s4 =	sld [smem:$0x3FD0];
	(tm) =	ssettm $0x1  }
0x93: {  	s5 =	sld [smem:$0x3FFB];
	_ =	sdelay $0x3  }
0x94: {  	_ =	strace s5  }
0x95: {  	s5 =	sld [smem:$0x3FFC];
	_ =	sdelay $0x3  }
0x96: {  	_ =	strace s5  }
0x97: {  	s5 =	sld [smem:$0x3FFD];
	_ =	sdelay $0x3  }
0x98: {  	_ =	strace s5  }
0x99: {  	_ =	strace $0x8FFFFFFF  }
0x9a: {  	s19 =	sld [smem:$0x3FDB];
	_ =	sdelay $0x1  }
0x9b: {  	s6 =	simm.s32 $_scs_section_size  }
0x9c: {  	s7 =	simm.s32 $_size__tile_overlayer_lowered;
	s8 =	simm.s32 $_tile_overlayer_lowered  }
0x9d: {  	s22 =	simm.s32 $0x1BFF;
	s21 =	sshll.u32 s8, $0x1;
	s5 =	sadd.s32 s6, s19  }
0x9e: {  	s9 =	simm.s32 $0x0;
	s20 =	sshll.u32 s7, $0x1;
	s7 =	sadd.s32 s21, s5  }
0x9f: {  	[timem:s9], [sflag:s22] =	dma.local [hbm:s7], s20  }
0xa0: {  	_ =	swait.ge [sflag:s22], s20  }
0xa1: {  	s6 =	ssub.s32 $0x0, s20;
	[sflag:s22] =	ssyncset.done $0x0  }
0xa2: {  	[sflag:s22] =	ssyncadd.s32 s6;
	_ =	sdelay $0x1  }
0xa3: {  	s23 =	simm.s32 $0x1B8B  }
0xa4: {  	_ =	swait.ge [sflag:s23], $0x1  }
0xa5: {  	[sflag:s23] =	ssyncset.done $0x0  }
0xa6: {  	s25 =	simm.s32 $0x1B8E;
	s24 =	sld [smem:$0x3FFE];
	[sflag:s23] =	ssyncadd.s32 $0xFFFFFFFF  }
0xa7: {  	s26 =	simm.s32 $execute0_lowered;
	[smem:$0x3FD2] =	sst s25  }
0xa8: {  	s7 =	sshll.u32 s26, $0x1;
	_ =	strace $0x80000046;
	[dreg:$0x1] =	wrdreg $0xFFFFFFFF  }
0xa9: {  	s28 =	simm.s32 $_size_execute0_lowered;
	s5 =	sadd.s32 s5, s7;
	[dreg:$0x0] =	wrdreg $0x0  }
0xaa: {  	s7 =	sshll.u32 s28, $0x1;
	[dreg:$0x2] =	wrdreg s5  }
0xab: {  	[dreg:$0x3] =	wrdreg s7  }
0xac: {  	[dreg:$0x4] =	wrdreg $0xC0  }
0xad: {  	_ =	task [dreg:s9], $0x5FFFF  }
0xae: {  	[dreg:$0x1] =	wrdreg $0xFFFFFFFF  }
0xaf: {  	[dreg:$0x0] =	wrdreg $0x60  }
0xb0: {  	[dreg:$0x2] =	wrdreg s2  }
0xb1: {  	[dreg:$0x3] =	wrdreg s24  }
0xb2: {  	[dreg:$0x4] =	wrdreg s18  }
0xb3: {  	[dreg:$0x5] =	wrdreg s4  }
0xb4: {  	[dreg:$0x6] =	wrdreg $0x9  }
0xb5: {  	_ =	task.clear_ibuf [dreg:s9], $0x7FFFF;
	_ =	strace $0x90000046  }
0xb6: {  	s29 =	simm.s32 $0x9;
	_ =	strace $0x80000048  }
0xb7: {  	_ =	swait.ge [sflag:s29], $0x1  }
0xb8: {  	[sflag:s29] =	ssyncadd.s32 $0xFFFFFFFF  }
0xb9: {  	_ =	strace $0x90000048  }
0xba: {  	_ =	sfence  }
0xbb: {  	s30 =	sld [smem:$0x0];
	_ =	sdelay $0x2  }
0xbc: {  	s31 =	sshll.u32 s1, $0xD;
	s1 =	sshrl.u32 s1, $0x2  }
0xbd: {  	s3 =	sand.u32 $0x4000, s31;
	s1 =	sadd.s32 s1, s30  }
0xbe: {  	s0 =	sor.u32 s3, s0;
	s1 =	sshll.u32 s1, $0x11  }
0xbf: {  	s0 =	sor.u32 s1, s0  }
0xc0: {  	s0 =	sadd.s32 $0x8F2B, s0  }
0xc1: {  	[sflag:s0] =	ssyncadd.remote.s32 $0x1  }
0xc2: {  	_ =	sfence.sel $0xFFFF  }
0xc3: {  	[dreg:$0x0] =	wrdreg $0xFFFFFFFF;
	(pc) =	sbr.abs _section_cstart, $3  }
0xc4: {  	[dreg:$0x1] =	wrdreg $0xFFFFFFFF  }
0xc5: {  	_ =	task.clear_ibuf [dreg:s9], $0x2FFFF;
	_ =	strace $0x9FFFFFFF  }
0xc6: {  	(tm) =	ssettm $0x7FFFFFFF  }
0xc7: {  	_ =	shalt  }
tec
execute0_lowered:
.L_overlay_start_1:
0x0: {  	(tag) =	ssettag $0x1  }
0x1: {  	s1 =	rddreg [dreg:$0x0]  }
0x2: {  	s7 =	rddreg [dreg:$0x1]  }
0x3: {  	s2 =	srdreg.scid;
	s3 =	rddreg [dreg:$0x2]  }
0x4: {  	s0 =	stileid.u32;
	s4 =	rddreg [dreg:$0x3];
	s11 =	simm.s32 $0x880  }
0x5: {  	s12 =	simm.s32 $0x900;
	s13 =	simm.s32 $0x2;
	s14 =	simm.s32 $0x3  }
0x6: {  	s15 =	simm.s32 $0x0;
	s5 =	sand.u32 $0x1, s2;
	s6 =	sshll.u32 s0, $0x7  }
.Ltmp0:
0x7: {  	s2 =	rddreg [dreg:$0x4];
	s8 =	sshll.u32 s5, $0x6;
	(pc) =	sbr.rel .LBB2_1-.Ltmp0, $4  }
0x8: {  	s9 =	ssub.s32 $0x2, s5;
	s5 =	sor.u32 s8, s6;
	s6 =	simm.s32 $0x0  }
0x9: {  	s31 =	sshrl.u32 s9, $0x1;
	s10 =	sshrl.u32 s5, $0x3;
	[smem:$0x7FF] =	sst s6  }
0xa: {  	s9 =	ssub.s32 s9, s31;
	s7 =	sadd.s32 s7, s10;
	_ =	strace $0x80000047  }
0xb: {  	s9 =	smax.u32 s9, $0x1;
	s10 =	simm.s32 $0x4;
	s8 =	sadd.s32 $0x200, s7  }
.LBB2_39:
0xc: {  	[sflag:s14] =	ssyncadd.s32 $0xFFFF4000  }
.LBB2_40:
0xd: {  	s15 =	sadd.s32 $0x1, s15  }
0xe: {  	p0 =	sne.s32 s15, s9  }
.Ltmp1:
0xf: {  	_ = 	snop;
	(pc) =	sbr.rel @!p0 .LBB2_41-.Ltmp1, $1  }
0x10: {  	_ =	sdelay $0x3  }
.LBB2_1:
0x11: {  	[tilespmem:s6], [sflag:$0x4] =	stream.linear.gather [hbm4b:s1+s6], $0x800, $0x38;
	[tilespmem:$0x18980] =	vst v63  }
0x12: {  	_ =	swait.ge [sflag:s10], $0x800  }
0x13: {  	[sflag:s10] =	ssyncset.done $0x0  }
0x14: {  	[sflag:s10] =	ssyncadd.s32 $0xFFFFF800  }
0x15: {  	[tilespmem:s11], [sflag:$0x4] =	stream.linear.gather [hbm4b:s7+s6], $0x40, $0x38;
	[tilespmem:$0x18980] =	vst v63  }
0x16: {  	_ =	swait.ge [sflag:s10], $0x40  }
0x17: {  	[sflag:s10] =	ssyncset.done $0x0  }
.Ltmp2:
0x18: {  	[sflag:s10] =	ssyncadd.s32 $0xFFFFFFC0;
	(pc) =	sbr.rel .LBB2_2-.Ltmp2, $4  }
0x19: {  	[tilespmem:s12], [sflag:$0x4] =	stream.linear.gather [hbm4b:s8+s6], $0x40, $0x38;
	[tilespmem:$0x18980] =	vst v63  }
0x1a: {  	_ =	swait.ge [sflag:s10], $0x40  }
0x1b: {  	s16 =	simm.s32 $0x0;
	s19 =	simm.s32 $0x0;
	[sflag:s10] =	ssyncset.done $0x0  }
0x1c: {  	s18 =	simm.s32 $0x1;
	s17 =	simm.s32 $0x0;
	[sflag:s10] =	ssyncadd.s32 $0xFFFFFFC0  }
.LBB2_26:
0x1d: {  	s16 =	smov.u32 @p1 s16  }
.LBB2_34:
0x1e: {  	s17 =	sadd.s32 $0x1, s17  }
0x1f: {  	p0 =	seq.s32 s17, $0x40  }
.Ltmp3:
0x20: {  	_ = 	snop;
	(pc) =	sbr.rel @p0 .LBB2_35-.Ltmp3, $2  }
0x21: {  	_ =	sdelay $0x2  }
0x22: {  	s18 =	smov.u32 s20  }
.LBB2_2:
0x23: {  	v0 =	vld [tilespmem:s17+$0x880]  }
0x24: {  	v1 =	vld [tilespmem:s17+$0x900];
	_ =	sdelay $0x3  }
0x25: {  	(v2sf) =	vpush v0, $0x0  }
0x26: {  	(v2sf) =	vpush v1, $0x0;
	_ =	sdelay $0xd  }
0x27: {  	s20 =	spop (v2sf)  }
0x28: {  	p0 =	sne.s32 s17, $0x0;
	s22 =	spop (v2sf)  }
0x29: {  	p1 =	slt.s32 @!p0 s22, $0xFFFFFFFF  }
0x2a: {  	p0 =	por p0, p1  }
.Ltmp4:
0x2b: {  	_ = 	snop;
	(pc) =	sbr.rel @p0 .LBB2_6-.Ltmp4, $1  }
0x2c: {  	_ =	sdelay $0x3  }
0x2d: {  	v0 =	vld [tilespmem:s20+$0x0];
	_ =	sdelay $0x4  }
0x2e: {  	(v2sf) =	vpush v0, $0x0;
	_ =	sdelay $0xe  }
0x2f: {  	s21 =	spop (v2sf)  }
0x30: {  	s23 =	sshrl.u32 s21, $0x3  }
0x31: {  	s21 =	sshll.u32 s21, $0x7;
	s23 =	smul.u32 $0x60000, s23  }
0x32: {  	s21 =	sand.u32 $0x380, s21  }
0x33: {  	s21 =	sor.u32 s21, s23  }
0x34: {  	s21 =	sshrl.u32 s21, $0x3  }
0x35: {  	s24 =	simm.s32 $0x980;
	s23 =	simm.s32 $0x0;
	s21 =	sadd.s32 s3, s21  }
.LBB2_4:
0x36: {  	p0 =	seq.s32 s23, $0xBF80  }
.Ltmp5:
0x37: {  	_ = 	snop;
	(pc) =	sbr.rel @!p0 .LBB2_4-.Ltmp5, $4  }
0x38: {  	_ = 	snop  }
0x39: {  	s25 =	sadd.s32 s23, s21  }
0x3a: {  	[tilespmem:s24], [sflag:$0x4] =	stream.linear.gather [hbm4b:s25+s6], $0x80, $0x38;
	[tilespmem:$0x18980] =	vst v63  }
0x3b: {  	s23 =	sadd.s32 $0x80, s23;
	s24 =	sadd.s32 $0x100, s24  }
.Ltmp6:
0x3c: {  	(pc) =	sbr.rel .LBB2_7-.Ltmp6, $2  }
0x3d: {  	_ =	sdelay $0x2  }
0x3e: {  	s21 =	simm.s32 $0x4  }
.LBB2_6:
0x3f: {  	p0 =	seq.s32 s17, $0x0  }
0x40: {  	p1 =	slt.s32 @!p0 s22, $0xFFFFFFFF  }
0x41: {  	p0 =	por p0, p1  }
.Ltmp7:
0x42: {  	_ = 	snop;
	(pc) =	sbr.rel @p0 .LBB2_8-.Ltmp7, $2  }
0x43: {  	_ =	sdelay $0x2  }
0x44: {  	s21 =	simm.s32 $0x1  }
.LBB2_7:
0x45: {  	_ =	swait.ge [sflag:s21], $0xC000  }
0x46: {  	[sflag:s21] =	ssyncset.done $0x0  }
0x47: {  	[sflag:s21] =	ssyncadd.s32 $0xFFFF4000  }
.LBB2_8:
0x48: {  	p0 =	sgt.s32 s22, $0xFFFFFFFE;
	s21 =	simm.s32 $0x1  }
0x49: {  	s21 =	simm.s32 @!p0 $0x0  }
0x4a: {  	p0 =	sne.s32 s18, s21  }
.Ltmp8:
0x4b: {  	_ = 	snop;
	(pc) =	sbr.rel @p0 .LBB2_12-.Ltmp8, $2  }
0x4c: {  	_ =	sdelay $0x2  }
0x4d: {  	s23 =	sshrl.u32 s20, $0x3;
	s24 =	sshll.u32 s20, $0x7  }
0x4e: {  	s20 =	smul.u32 $0x60000, s23  }
0x4f: {  	s25 =	sand.u32 $0x380, s24  }
0x50: {  	s20 =	sor.u32 s25, s20  }
0x51: {  	s20 =	sshrl.u32 s20, $0x3  }
0x52: {  	s26 =	simm.s32 $0x80;
	s20 =	sadd.s32 s4, s20  }
0x53: {  	s28 =	simm.s32 $0xA80;
	s25 =	simm.s32 $0x980;
	s29 =	sadd.s32 $0x0, s20  }
.LBB2_10:
0x54: {  	[hbm4b:s29+s6] =	stream.linear.scatter [tilespmem:s25], [sflag:$0x2], $0x80, $0x38;
	[tilespmem:$0x18980] =	vst v63  }
0x55: {  	s29 =	smov.u32 s26;
	s25 =	smov.u32 s28;
	p0 =	sne.s32 s26, $0xBF80  }
.Ltmp9:
0x56: {  	s26 =	sadd.s32 $0x80, s26;
	(pc) =	sbr.rel @p0 .LBB2_10-.Ltmp9, $2  }
0x57: {  	_ =	sdelay $0x2  }
0x58: {  	s28 =	sadd.s32 $0x100, s28;
	s29 =	sadd.s32 s29, s20  }
0x59: {  	[hbm4b:s29+s6] =	stream.linear.scatter [tilespmem:s25], [sflag:$0x2], $0x80, $0x38;
	[tilespmem:$0x18980] =	vst v63  }
.LBB2_12:
0x5a: {  	s20 =	sxor.u32 s21, s18  }
0x5b: {  	p1 =	sne.s32 s20, $0x1  }
.Ltmp10:
0x5c: {  	_ = 	snop;
	(pc) =	sbr.rel @p1 .LBB2_16-.Ltmp10, $4  }
0x5d: {  	_ = 	snop  }
0x5e: {  	p0 =	seq.s32 s18, s21;
	s25 =	simm.s32 $0x1  }
0x5f: {  	s25 =	simm.s32 @!p0 $0x0  }
0x60: {  	s19 =	sadd.s32 s25, s19;
	s25 =	simm.s32 $0x0  }
0x61: {  	s23 =	smul.u32 $0x60000, s23  }
0x62: {  	s24 =	sand.u32 $0x380, s24  }
0x63: {  	s23 =	sor.u32 s24, s23  }
0x64: {  	s23 =	sshrl.u32 s23, $0x3  }
0x65: {  	s25 =	simm.s32 $0x80;
	s23 =	sadd.s32 s4, s23  }
0x66: {  	s26 =	simm.s32 $0xB00;
	s24 =	simm.s32 $0xA00;
	s28 =	sadd.s32 $0x0, s23  }
.LBB2_14:
0x67: {  	[hbm4b:s28+s6] =	stream.linear.scatter [tilespmem:s24], [sflag:$0x3], $0x80, $0x38;
	[tilespmem:$0x18980] =	vst v63  }
0x68: {  	s28 =	smov.u32 s25;
	s24 =	smov.u32 s26;
	p1 =	sne.s32 s25, $0xBF80  }
.Ltmp11:
0x69: {  	s25 =	sadd.s32 $0x80, s25;
	(pc) =	sbr.rel @p1 .LBB2_14-.Ltmp11, $2  }
0x6a: {  	_ =	sdelay $0x2  }
0x6b: {  	s26 =	sadd.s32 $0x100, s26;
	s28 =	sadd.s32 s28, s23  }
0x6c: {  	[hbm4b:s28+s6] =	stream.linear.scatter [tilespmem:s24], [sflag:$0x3], $0x80, $0x38;
	[tilespmem:$0x18980] =	vst v63  }
0x6d: {  	p1 =	slt.s32 s19, $0x1  }
0x6e: {  	s23 =	simm.s32 @!p1 $0x2  }
0x6f: {  	_ =	swait.ge @!p1 [sflag:s23], $0xC000  }
0x70: {  	s25 =	simm.s32 @!p1 $0xFFFFFFFF;
	[sflag:s23] =	ssyncset.done @!p1 $0x0  }
0x71: {  	s16 =	sadd.s32 $0x1, s16;
	s25 =	simm.s32 @p1 $0x0;
	[sflag:s23] =	ssyncadd.s32 @!p1 $0xFFFF4000  }
.LBB2_16:
0x72: {  	p1 =	sgt.s32 s16, $0x0  }
0x73: {  	p0 =	por !p0, !p1  }
0x74: {  	p0 =	por !p0, !p0  }
0x75: {  	s23 =	simm.s32 @p0 $0x3  }
0x76: {  	s24 =	ssub.s32 s22, s5;
	_ =	swait.ge @p0 [sflag:s23], $0xC000  }
0x77: {  	p1 =	sgt.s32 s24, $0x0;
	[sflag:s23] =	ssyncset.done @p0 $0x0  }
0x78: {  	s24 =	simm.s32 @!p1 $0x0;
	[sflag:s23] =	ssyncadd.s32 @p0 $0xFFFF4000  }
0x79: {  	v0 =	vld [tilespmem:s24+$0x880];
	_ =	sdelay $0x4  }
0x7a: {  	(v2sf) =	vpush v0, $0x0;
	_ =	sdelay $0xe  }
0x7b: {  	s23 =	spop (v2sf)  }
0x7c: {  	p1 =	sgt.s32 s23, $0x0  }
0x7d: {  	s23 =	simm.s32 @!p1 $0x0  }
0x7e: {  	s23 =	smin.u32 s23, $0x7FF  }
0x7f: {  	v63 =	vld [tilespmem:s23+$0x0];
	_ =	sdelay $0x4  }
0x80: {  	(v2sf) =	vpush v63, $0x0;
	_ =	sdelay $0x7  }
0x81: {  	p1 =	slt.s32 s22, $0x0  }
0x82: {  	p2 =	sne.s32 @!p1 s20, $0x1  }
0x83: {  	p2 =	por p1, p2  }
.Ltmp12:
0x84: {  	_ = 	snop;
	(pc) =	sbr.rel @p2 .LBB2_17-.Ltmp12, $2  }
0x85: {  	_ =	sdelay $0x2  }
0x86: {  	s19 =	sadd.s32 s19, s25;
	s22 =	spop (v2sf)  }
0x87: {  	p2 =	slt.s32 s19, $0x1  }
.Ltmp13:
0x88: {  	_ = 	snop;
	(pc) =	sbr.rel @p2 .LBB2_22-.Ltmp13, $1  }
0x89: {  	_ =	sdelay $0x3  }
0x8a: {  	p2 =	sne.s32 s19, $0x1  }
.Ltmp14:
0x8b: {  	_ = 	snop;
	(pc) =	sbr.rel @!p2 .LBB2_21-.Ltmp14, $3  }
0x8c: {  	_ =	sdelay $0x1  }
0x8d: {  	_ =	swait.ge [sflag:s13], $0xC000  }
0x8e: {  	s19 =	sadd.s32 $0xFFFFFFFF, s19;
	[sflag:s13] =	ssyncset.done $0x0  }
.LBB2_20:
0x8f: {  	p2 =	sne.s32 s19, $0x1;
	s19 =	sadd.s32 $0xFFFFFFFF, s19;
	[sflag:s13] =	ssyncadd.s32 $0xFFFF4000  }
.Ltmp15:
0x90: {  	(pc) =	sbr.rel @p2 .LBB2_20-.Ltmp15, $3  }
0x91: {  	_ =	sdelay $0x1  }
0x92: {  	_ =	swait.ge [sflag:s13], $0xC000  }
0x93: {  	[sflag:s13] =	ssyncset.done $0x0  }
.LBB2_21:
0x94: {  	[sflag:s13] =	ssyncadd.s32 $0xFFFF4000  }
.LBB2_22:
0x95: {  	s19 =	sshrl.u32 s22, $0x3  }
0x96: {  	s23 =	sshll.u32 s22, $0x7;
	s19 =	smul.u32 $0x60000, s19  }
0x97: {  	s23 =	sand.u32 $0x380, s23  }
0x98: {  	s19 =	sor.u32 s23, s19  }
0x99: {  	s19 =	sshrl.u32 s19, $0x3  }
0x9a: {  	s24 =	simm.s32 $0x980;
	s25 =	simm.s32 $0x80;
	s23 =	sadd.s32 s3, s19  }
0x9b: {  	s26 =	simm.s32 $0xA80;
	s19 =	simm.s32 $0x0;
	s28 =	sadd.s32 $0x0, s23  }
.LBB2_23:
0x9c: {  	[tilespmem:s24], [sflag:$0x1] =	stream.linear.gather [hbm4b:s28+s19], $0x80, $0x38;
	[tilespmem:$0x18980] =	vst v63  }
0x9d: {  	s28 =	smov.u32 s25;
	s24 =	smov.u32 s26;
	p2 =	sne.s32 s25, $0xBF80  }
.Ltmp16:
0x9e: {  	s25 =	sadd.s32 $0x80, s25;
	(pc) =	sbr.rel @p2 .LBB2_23-.Ltmp16, $2  }
0x9f: {  	_ =	sdelay $0x2  }
0xa0: {  	s26 =	sadd.s32 $0x100, s26;
	s28 =	sadd.s32 s28, s23  }
.Ltmp17:
0xa1: {  	(pc) =	sbr.rel .LBB2_25-.Ltmp17, $2  }
0xa2: {  	_ =	sdelay $0x2  }
0xa3: {  	[tilespmem:s24], [sflag:$0x1] =	stream.linear.gather [hbm4b:s28+s19], $0x80, $0x38;
	[tilespmem:$0x18980] =	vst v63  }
.LBB2_17:
0xa4: {  	s19 =	smov.u32 @p1 s19  }
.LBB2_25:
0xa5: {  	s23 =	simm.s32 $0x1;
	p2 =	sne.s32 @!p1 s18, s21  }
0xa6: {  	s23 =	simm.s32 @!p0 $0x0;
	p0 =	por p1, p2  }
.Ltmp18:
0xa7: {  	_ = 	snop;
	(pc) =	sbr.rel @p0 .LBB2_26-.Ltmp18, $2  }
0xa8: {  	_ =	sdelay $0x2  }
0xa9: {  	s16 =	ssub.s32 s16, s23  }
0xaa: {  	p0 =	slt.s32 s16, $0x1  }
.Ltmp19:
0xab: {  	_ = 	snop;
	(pc) =	sbr.rel @p0 .LBB2_31-.Ltmp19, $1  }
0xac: {  	_ =	sdelay $0x3  }
0xad: {  	p0 =	sne.s32 s16, $0x1  }
.Ltmp20:
0xae: {  	_ = 	snop;
	(pc) =	sbr.rel @!p0 .LBB2_30-.Ltmp20, $3  }
0xaf: {  	_ =	sdelay $0x1  }
0xb0: {  	_ =	swait.ge [sflag:s14], $0xC000  }
0xb1: {  	s16 =	sadd.s32 $0xFFFFFFFF, s16;
	[sflag:s14] =	ssyncset.done $0x0  }
.LBB2_29:
0xb2: {  	p0 =	sne.s32 s16, $0x1;
	s16 =	sadd.s32 $0xFFFFFFFF, s16;
	[sflag:s14] =	ssyncadd.s32 $0xFFFF4000  }
.Ltmp21:
0xb3: {  	(pc) =	sbr.rel @p0 .LBB2_29-.Ltmp21, $3  }
0xb4: {  	_ =	sdelay $0x1  }
0xb5: {  	_ =	swait.ge [sflag:s14], $0xC000  }
0xb6: {  	[sflag:s14] =	ssyncset.done $0x0  }
.LBB2_30:
0xb7: {  	[sflag:s14] =	ssyncadd.s32 $0xFFFF4000  }
.LBB2_31:
0xb8: {  	s16 =	sshrl.u32 s22, $0x3  }
0xb9: {  	s18 =	sshll.u32 s22, $0x7;
	s16 =	smul.u32 $0x60000, s16  }
0xba: {  	s18 =	sand.u32 $0x380, s18  }
0xbb: {  	s16 =	sor.u32 s18, s16  }
0xbc: {  	s16 =	sshrl.u32 s16, $0x3  }
0xbd: {  	s21 =	simm.s32 $0xA00;
	s22 =	simm.s32 $0x80;
	s18 =	sadd.s32 s3, s16  }
0xbe: {  	s23 =	simm.s32 $0xB00;
	s16 =	simm.s32 $0x0;
	s24 =	sadd.s32 $0x0, s18  }
.LBB2_32:
0xbf: {  	[tilespmem:s21], [sflag:$0x1] =	stream.linear.gather [hbm4b:s24+s16], $0x80, $0x38;
	[tilespmem:$0x18980] =	vst v63  }
0xc0: {  	s24 =	smov.u32 s22;
	s21 =	smov.u32 s23;
	p0 =	sne.s32 s22, $0xBF80  }
.Ltmp22:
0xc1: {  	s22 =	sadd.s32 $0x80, s22;
	(pc) =	sbr.rel @p0 .LBB2_32-.Ltmp22, $2  }
0xc2: {  	_ =	sdelay $0x2  }
0xc3: {  	s23 =	sadd.s32 $0x100, s23;
	s24 =	sadd.s32 s24, s18  }
.Ltmp23:
0xc4: {  	(pc) =	sbr.rel .LBB2_34-.Ltmp23, $2  }
0xc5: {  	_ =	sdelay $0x2  }
0xc6: {  	[tilespmem:s21], [sflag:$0x1] =	stream.linear.gather [hbm4b:s24+s16], $0x80, $0x38;
	[tilespmem:$0x18980] =	vst v63  }
.LBB2_35:
0xc7: {  	p0 =	sgt.s32 s19, $0x0  }
.Ltmp24:
0xc8: {  	_ = 	snop;
	(pc) =	sbr.rel @!p0 .LBB2_36-.Ltmp24, $1  }
0xc9: {  	_ =	sdelay $0x3  }
0xca: {  	p0 =	seq.s32 s19, $0x1  }
.Ltmp25:
0xcb: {  	_ = 	snop;
	(pc) =	sbr.rel @p0 .LBB2_44-.Ltmp25, $3  }
0xcc: {  	_ =	sdelay $0x1  }
0xcd: {  	_ =	swait.ge [sflag:s13], $0xC000  }
0xce: {  	s17 =	sadd.s32 $0xFFFFFFFF, s19;
	[sflag:s13] =	ssyncset.done $0x0  }
.LBB2_43:
0xcf: {  	p0 =	seq.s32 s17, $0x1;
	s17 =	sadd.s32 $0xFFFFFFFF, s17;
	[sflag:s13] =	ssyncadd.s32 $0xFFFF4000  }
.Ltmp26:
0xd0: {  	(pc) =	sbr.rel @!p0 .LBB2_43-.Ltmp26, $3  }
0xd1: {  	_ =	sdelay $0x1  }
0xd2: {  	_ =	swait.ge [sflag:s13], $0xC000  }
0xd3: {  	[sflag:s13] =	ssyncset.done $0x0  }
.LBB2_44:
0xd4: {  	[sflag:s13] =	ssyncadd.s32 $0xFFFF4000  }
.LBB2_36:
0xd5: {  	p0 =	sgt.s32 s16, $0x0  }
.Ltmp27:
0xd6: {  	_ = 	snop;
	(pc) =	sbr.rel @!p0 .LBB2_40-.Ltmp27, $1  }
0xd7: {  	_ =	sdelay $0x3  }
0xd8: {  	p0 =	sne.s32 s16, $0x1  }
.Ltmp28:
0xd9: {  	_ = 	snop;
	(pc) =	sbr.rel @!p0 .LBB2_39-.Ltmp28, $3  }
0xda: {  	_ =	sdelay $0x1  }
0xdb: {  	_ =	swait.ge [sflag:s14], $0xC000  }
0xdc: {  	s16 =	sadd.s32 $0xFFFFFFFF, s16;
	[sflag:s14] =	ssyncset.done $0x0  }
.LBB2_38:
0xdd: {  	p0 =	sne.s32 s16, $0x1;
	s16 =	sadd.s32 $0xFFFFFFFF, s16;
	[sflag:s14] =	ssyncadd.s32 $0xFFFF4000  }
.Ltmp29:
0xde: {  	(pc) =	sbr.rel @p0 .LBB2_38-.Ltmp29, $3  }
0xdf: {  	_ =	sdelay $0x1  }
0xe0: {  	_ =	swait.ge [sflag:s14], $0xC000  }
0xe1: {  	[sflag:s14] =	ssyncset.done $0x0  }
.Ltmp30:
0xe2: {  	_ = 	snop;
	(pc) =	sbr.rel .LBB2_39-.Ltmp30, $1  }
0xe3: {  	_ =	sdelay $0x3  }
.LBB2_41:
0xe4: {  	_ =	sfence.sel $0x180000  }
0xe5: {  	[bflag:$0x0] =	sbarrier.arrive $0xFFFF  }
0xe6: {  	p0 =	sne.s32 s0, $0x0;
	_ =	strace $0x90000047  }
0xe7: {  	s0 =	sadd.s32 @!p0 $0x100000, s2;
	[bflag:$0x2] =	sbarrier.arrive $0xFFFF  }
0xe8: {  	[sflag:s0] =	ssyncadd.tile.s32 @!p0 $0x1;
	_ =	shalt  }
.Lfunc_end2:
_tile_overlayer_lowered:
.L_overlay_start_2:
0xe9: {  	(tag) =	ssettag $0x2  }
0xea: {  	s0 =	rddreg [dreg:$0x0];
	s2 =	stileid.u32  }
0xeb: {  	s1 =	rddreg [dreg:$0x1];
	p0 =	sne.s32 s2, $0x0  }
0xec: {  	s3 =	rddreg [dreg:$0x2];
	[bflag:$0x3] =	sbarrier.arrive $0xFFFF;
	s2 =	simm.s32 @!p0 $0x1C04  }
0xed: {  	[timem:s3], [sflag:s2] =	dma.local @!p0 [hbm:s0], s1  }
0xee: {  	s0 =	simm.s32 @!p0 $0x4  }
0xef: {  	_ =	swait.ge @!p0 [sflag:s0], s1  }
0xf0: {  	s1 =	ssub.s32 @!p0 $0x0, s1;
	[sflag:s0] =	ssyncset.done @!p0 $0x0  }
0xf1: {  	[sflag:s0] =	ssyncadd.s32 @!p0 s1  }
0xf2: {  	[bflag:$0x3] =	sbarrier.arrive $0xFFFF  }
0xf3: {  	_ =	shalt  }

</sc_bundles>
